<compile_context>
chip_gen: v7x
topology: tpu7x:2x2x1
jax: 0.10.2.dev20260603
libtpu: 0.0.44.dev20260713+nightly
codegen_flags: <defaults>
</compile_context>

<pallas_src>
import functools

import jax
import jax.numpy as jnp
from jax import lax
from jax.experimental import pallas as pl
from jax.experimental.pallas import tpu as pltpu
from jax.experimental.pallas import tpu_sc as plsc

N = 10000
E = 320000
D = 128
H = 128
G = 8

NC = 2
NS = 16
NW = NC * NS

CHUNK = 128
ROWS_TOTAL = E // CHUNK
ROWS_PER_TILE = -(-ROWS_TOTAL // (NW * 8)) * 8
ROWS_PAD = ROWS_PER_TILE * NW
SEG = 40
FAST_ROWS = 80
SLOW_ROWS = ROWS_PAD // NS - FAST_ROWS
DW = 128
ACC_ROWS = 10240
ZROWS = ACC_ROWS // NS
TRASH = N

_mesh = plsc.VectorSubcoreMesh(core_axis_name="c", subcore_axis_name="s")



@functools.partial(
    pl.kernel,
    out_type=jax.ShapeDtypeStruct((NC, ACC_ROWS, DW), jnp.float32),
    mesh=_mesh,
    scratch_types=[
        pltpu.VMEM((ROWS_PER_TILE, CHUNK), jnp.int32),
        pltpu.VMEM((CHUNK, DW), jnp.float32),
        pltpu.VMEM((16, DW), jnp.float32),
        pltpu.VMEM_SHARED((ACC_ROWS, DW), jnp.float32),
        pltpu.SemaphoreType.DMA,
    ],
)
def _sc_degree(dst_hbm, out_hbm, dst_v, ones_v, zbuf, acc, sem):
    c = lax.axis_index("c")
    s = lax.axis_index("s")
    wid = s * NC + c

    @pl.loop(0, 16)
    def _(i):
        @pl.loop(0, DW, step=16)
        def _(j):
            zbuf[i, pl.ds(j, 16)] = jnp.zeros((16,), jnp.float32)

    @pl.loop(0, CHUNK)
    def _(i):
        @pl.loop(0, DW, step=16)
        def _(j):
            ones_v[i, pl.ds(j, 16)] = jnp.ones((16,), jnp.float32)

    @pl.loop(0, ZROWS, step=16)
    def _(r):
        pltpu.sync_copy(zbuf, acc.at[pl.ds(s * ZROWS + r, 16)])

    pltpu.async_copy(
        dst_hbm.at[pl.ds(wid * ROWS_PER_TILE, ROWS_PER_TILE)], dst_v, sem
    ).wait()
    plsc.subcore_barrier()

    @pl.loop(0, ROWS_PER_TILE, step=8)
    def _(j):
        for b in range(8):
            pltpu.async_copy(ones_v, acc.at[dst_v.at[j + b]], sem, add=True)
        for b in range(8):
            pltpu.make_async_copy(ones_v, acc.at[dst_v.at[j + b]], sem).wait()

    plsc.subcore_barrier()
    pltpu.sync_copy(
        acc.at[pl.ds(s * ZROWS, ZROWS)],
        out_hbm.at[c].at[pl.ds(s * ZROWS, ZROWS)],
    )


@functools.partial(
    pl.kernel,
    out_type=jax.ShapeDtypeStruct((NC, ACC_ROWS, D), jnp.float32),
    mesh=_mesh,
    scratch_types=[
        pltpu.VMEM((SEG, CHUNK), jnp.int32),
        pltpu.VMEM((SEG, CHUNK), jnp.int32),
        pltpu.VMEM((CHUNK, D), jnp.float32),
        pltpu.VMEM((CHUNK, D), jnp.float32),
        pltpu.VMEM((16, D), jnp.float32),
        pltpu.VMEM_SHARED((ACC_ROWS, D), jnp.float32),
        pltpu.SemaphoreType.DMA,
        pltpu.SemaphoreType.DMA,
        pltpu.SemaphoreType.DMA,
    ],
)
def _sc_aggregate(xs_hbm, src_hbm, dst_hbm, out_hbm,
                  src_v, dst_v, rows0, rows1, zbuf, acc, sem, gsem0, gsem1):
    c = lax.axis_index("c")
    s = lax.axis_index("s")
    fast = c == 0
    ptile = jnp.where(fast, FAST_ROWS, SLOW_ROWS)
    c_off = jnp.where(fast, 0, NS * FAST_ROWS)
    nseg = jnp.where(fast, FAST_ROWS // SEG, SLOW_ROWS // SEG)
    tile_base = c_off + s * ptile

    @pl.loop(0, 16)
    def _(i):
        @pl.loop(0, D, step=16)
        def _(j):
            zbuf[i, pl.ds(j, 16)] = jnp.zeros((16,), jnp.float32)

    @pl.loop(0, ZROWS, step=16)
    def _(r):
        pltpu.sync_copy(zbuf, acc.at[pl.ds(s * ZROWS + r, 16)])

    plsc.subcore_barrier()

    @pl.loop(0, nseg)
    def _(t):
        seg = tile_base + t * SEG
        pltpu.async_copy(src_hbm.at[pl.ds(seg, SEG)], src_v, sem).wait()
        pltpu.async_copy(dst_hbm.at[pl.ds(seg, SEG)], dst_v, sem).wait()

        pltpu.async_copy(xs_hbm.at[src_v.at[0]], rows0, gsem0)

        @pl.loop(0, SEG, step=2)
        def _(j):
            pltpu.async_copy(xs_hbm.at[src_v.at[j + 1]], rows1, gsem1)
            pltpu.make_async_copy(xs_hbm.at[src_v.at[j]], rows0, gsem0).wait()
            pltpu.sync_copy(rows0, acc.at[dst_v.at[j]], add=True)

            @pl.when(j + 2 < SEG)
            def _():
                pltpu.async_copy(xs_hbm.at[src_v.at[j + 2]], rows0, gsem0)

            pltpu.make_async_copy(
                xs_hbm.at[src_v.at[j + 1]], rows1, gsem1).wait()
            pltpu.sync_copy(rows1, acc.at[dst_v.at[j + 1]], add=True)

    plsc.subcore_barrier()
    pltpu.sync_copy(
        acc.at[pl.ds(s * ZROWS, ZROWS)],
        out_hbm.at[c].at[pl.ds(s * ZROWS, ZROWS)],
    )



def _tc0_body(x_ref, w_ref, xw_ref):
    xw_ref[...] = jnp.dot(x_ref[...], w_ref[...],
                          preferred_element_type=jnp.float32)


def _tc1_body(xw_ref, d0_ref, d1_ref, xs_ref, dis_ref):
    deg = 1.0 + d0_ref[...][:, 0:1] + d1_ref[...][:, 0:1]
    dis = lax.rsqrt(deg)
    xs_ref[...] = xw_ref[...] * dis
    dis_ref[...] = dis


def _tc2_body(p0_ref, p1_ref, xs_ref, dis_ref, b_ref, w_ref, out_ref):
    dis = dis_ref[...]
    h = dis * (p0_ref[...] + p1_ref[...] + xs_ref[...]) + b_ref[...]
    h = jnp.maximum(h, 0.0)
    xw = jnp.dot(h, w_ref[...], preferred_element_type=jnp.float32)
    out_ref[...] = xw * dis


def _tc3_body(p0_ref, p1_ref, xs_ref, dis_ref, b_ref, batch_ref,
              wp_ref, bp_ref, out_ref):
    dis = dis_ref[...]
    h = dis * (p0_ref[...] + p1_ref[...] + xs_ref[...]) + b_ref[...]
    h = jnp.maximum(h, 0.0)
    gid = lax.broadcasted_iota(jnp.int32, (N, G), 1)
    oh = (batch_ref[...] == gid).astype(jnp.float32)
    sums = lax.dot_general(oh, h, (((0,), (0,)), ((), ())),
                           preferred_element_type=jnp.float32,
                           precision=lax.Precision.HIGHEST)
    counts = lax.dot_general(oh, jnp.ones((N, 1), jnp.float32),
                             (((0,), (0,)), ((), ())),
                             preferred_element_type=jnp.float32,
                             precision=lax.Precision.HIGHEST)
    pooled = sums / jnp.maximum(counts, 1.0)
    out_ref[...] = jnp.dot(pooled, wp_ref[...],
                           preferred_element_type=jnp.float32) + bp_ref[...]


_tc0 = pl.pallas_call(
    _tc0_body,
    out_shape=jax.ShapeDtypeStruct((N, D), jnp.float32),
)

_tc1 = pl.pallas_call(
    _tc1_body,
    out_shape=[jax.ShapeDtypeStruct((N, D), jnp.float32),
               jax.ShapeDtypeStruct((N, 1), jnp.float32)],
)

_tc2 = pl.pallas_call(
    _tc2_body,
    out_shape=jax.ShapeDtypeStruct((N, H), jnp.float32),
)

_tc3 = pl.pallas_call(
    _tc3_body,
    out_shape=jax.ShapeDtypeStruct((G, 1), jnp.float32),
)



def kernel(x, edge_index, batch, W1, b1, W2, b2, Wp, bp):
    ei = edge_index.astype(jnp.int32)
    pad = ROWS_PAD * CHUNK - E
    src2d = jnp.concatenate(
        [ei[0], jnp.zeros((pad,), jnp.int32)]).reshape(ROWS_PAD, CHUNK)
    dst2d = jnp.concatenate(
        [ei[1], jnp.full((pad,), TRASH, jnp.int32)]).reshape(ROWS_PAD, CHUNK)
    batch2d = batch.astype(jnp.int32).reshape(N, 1)
    b1r = b1.reshape(1, H)
    b2r = b2.reshape(1, H)
    bpr = bp.reshape(1, 1)

    xw1 = _tc0(x, W1)
    degp = _sc_degree(dst2d)
    d0 = degp[0, :N, 0:1]
    d1 = degp[1, :N, 0:1]

    xs1, dis = _tc1(xw1, d0, d1)

    p1 = _sc_aggregate(xs1, src2d, dst2d)
    xs2 = _tc2(p1[0, :N], p1[1, :N], xs1, dis, b1r, W2)

    p2 = _sc_aggregate(xs2, src2d, dst2d)
    out = _tc3(p2[0, :N], p2[1, :N], xs2, dis, b2r, batch2d, Wp, bpr)

    return out.reshape(G)

# --- scband reference (transcript-rebuilt; emitter-appended) ---
"""Pipeline reference for scband-optimized-simple-gcn-28441273434160 (READ-ONLY COPY).

The authoritative reference and input builder live on the scoring server;
editing this copy changes nothing except your own understanding.
"""

import jax, jax.numpy as jnp
import numpy as np

N = 10000
E = 320000
D = 128
H = 128
G = 8


def gcn_conv(x, edge_index, W, b, num_nodes):
    # GCNConv (PyG-style): add self-loops, symmetric normalization,
    # linear transform, scatter-add aggregation, then bias.
    src = edge_index[0]
    dst = edge_index[1]
    loop = jnp.arange(num_nodes, dtype=src.dtype)
    src = jnp.concatenate([src, loop])
    dst = jnp.concatenate([dst, loop])
    ones = jnp.ones(src.shape[0], dtype=x.dtype)
    deg = jnp.zeros(num_nodes, dtype=x.dtype).at[dst].add(ones)
    deg_inv_sqrt = jnp.where(deg > 0, 1.0 / jnp.sqrt(deg), 0.0)
    norm = deg_inv_sqrt[src] * deg_inv_sqrt[dst]
    xw = x @ W
    msg = xw[src] * norm[:, None]
    out = jnp.zeros((num_nodes, W.shape[1]), dtype=x.dtype).at[dst].add(msg)
    return out + b


def setup_inputs(seed: int = 0) -> dict:
    key = jax.random.key(seed)
    k = jax.random.split(key, 9)
    x = jax.random.normal(k[0], (N, D), dtype=jnp.float32)
    edge_index = jax.random.randint(k[1], (2, E), 0, N, dtype=jnp.int64)
    batch = jnp.sort(jax.random.randint(k[2], (N,), 0, G, dtype=jnp.int64))
    W1 = jax.random.normal(k[3], (D, H), dtype=jnp.float32) * (1.0 / np.sqrt(D))
    b1 = jnp.zeros((H,), dtype=jnp.float32)
    W2 = jax.random.normal(k[4], (H, H), dtype=jnp.float32) * (1.0 / np.sqrt(H))
    b2 = jnp.zeros((H,), dtype=jnp.float32)
    Wp = jax.random.normal(k[5], (H, 1), dtype=jnp.float32) * (1.0 / np.sqrt(H))
    bp = jnp.zeros((1,), dtype=jnp.float32)
    return {"x": x, "edge_index": edge_index, "batch": batch,
            "W1": W1, "b1": b1, "W2": W2, "b2": b2, "Wp": Wp, "bp": bp}


def reference(x, edge_index, batch, W1, b1, W2, b2, Wp, bp):
    # layer 1
    h = gcn_conv(x, edge_index, W1, b1, N)
    h = jax.nn.relu(h)
    # dropout is identity at inference
    # layer 2
    h = gcn_conv(h, edge_index, W2, b2, N)
    h = jax.nn.relu(h)
    # global mean pool over graphs in the batch
    sums = jax.ops.segment_sum(h, batch, num_segments=G)
    counts = jax.ops.segment_sum(jnp.ones((N,), dtype=h.dtype), batch, num_segments=G)
    counts = jnp.maximum(counts, 1.0)
    pooled = sums / counts[:, None]
    out = pooled @ Wp + bp
    return jnp.squeeze(out, axis=-1)

if __name__ == "__main__":
    import jax
    _d = setup_inputs()
    print(jax.jit(kernel)(*tuple(_d.values())))

</pallas_src>

<mosaic_0001>
#map = affine_map<(d0, d1) -> (0, 0)>
#map1 = affine_map<(d0, d1) -> (0, 0, 0)>
module attributes {stable_mosaic.version = 14 : i64} {
  func.func @_sc_degree(%arg0: i32, %arg1: i32, %arg2: memref<2560x128xi32, #tpu.memory_space<hbm>>, %arg3: memref<2x10240x128xf32, #tpu.memory_space<hbm>>, %arg4: memref<80x128xi32, #tpu.memory_space<vmem>>, %arg5: memref<128x128xf32, #tpu.memory_space<vmem>>, %arg6: memref<16x128xf32, #tpu.memory_space<vmem>>, %arg7: memref<10240x128xf32, #tpu.memory_space<vmem_shared>>, %arg8: memref<!tpu.dma_semaphore, #tpu.memory_space<semaphore_mem>>) attributes {dimension_semantics = [#tpu.dimension_semantics<core_parallel>, #tpu.dimension_semantics<subcore_parallel>], iteration_bounds = array<i64: 2, 16>, scalar_prefetch = 0 : i64, scratch_operands = 5 : i64, tpu.core_type = #tpu.core_type<sc_vector_subcore>, window_params = [{transform_indices = #map}, {transform_indices = #map1}]} {
    %mul3A = arith.constant 2 : i32
    %mul3A_0 = arith.muli %arg1, %mul3A : i32
    %add3A = arith.addi %mul3A_0, %arg0 : i32
    %scan3A = arith.constant 0 : i32
    %scan3A_1 = arith.constant 16 : i32
    %scan3A_2 = arith.addi %scan3A, %scan3A_1 : i32
    %scan3A_3 = arith.constant 1 : i32
    scf.for %scan3A_33 = %scan3A to %scan3A_2 step %scan3A_3  : i32 {
      %mul3A_34 = arith.constant 1 : i32
      %mul3A_35 = arith.muli %scan3A_33, %mul3A_34 : i32
      %add3A_36 = arith.constant 0 : i32
      %add3A_37 = arith.addi %add3A_36, %mul3A_35 : i32
      %scan3A_38 = arith.constant 0 : i32
      %scan3A_39 = arith.constant 8 : i32
      %scan3A_40 = arith.addi %scan3A_38, %scan3A_39 : i32
      %scan3A_41 = arith.constant 1 : i32
      scf.for %scan3A_43 = %scan3A_38 to %scan3A_40 step %scan3A_41  : i32 {
        %mul3A_44 = arith.constant 16 : i32
        %mul3A_45 = arith.muli %scan3A_43, %mul3A_44 : i32
        %add3A_46 = arith.constant 0 : i32
        %add3A_47 = arith.addi %add3A_46, %mul3A_45 : i32
        %broadcast_in_dim3A = arith.constant 0.000000e+00 : f32
        %broadcast_in_dim3A_48 = vector.broadcast %broadcast_in_dim3A : f32 to vector<16xf32>
        %swap3A = arith.index_cast %add3A_37 : i32 to index
        %swap3A_49 = arith.index_cast %add3A_47 : i32 to index
        %swap3A_50 = tpu.vector_load %arg6[%swap3A, %swap3A_49] {strides = array<i32>} : memref<16x128xf32, #tpu.memory_space<vmem>>, vector<1x16xf32>,
        %swap3A_51 = vector.shape_cast %swap3A_50 : vector<1x16xf32> to vector<16xf32>
        %swap3A_52 = vector.shape_cast %broadcast_in_dim3A_48 : vector<16xf32> to vector<1x16xf32>
        tpu.vector_store %arg6[%swap3A, %swap3A_49], %swap3A_52 {strides = array<i32>} : memref<16x128xf32, #tpu.memory_space<vmem>>, vector<1x16xf32>,
      }
      %scan3A_42 = arith.constant 8 : i32
    }
    %scan3A_4 = arith.constant 16 : i32
    %scan3A_5 = arith.constant 0 : i32
    %scan3A_6 = arith.constant 128 : i32
    %scan3A_7 = arith.addi %scan3A_5, %scan3A_6 : i32
    %scan3A_8 = arith.constant 1 : i32
    scf.for %scan3A_33 = %scan3A_5 to %scan3A_7 step %scan3A_8  : i32 {
      %mul3A_34 = arith.constant 1 : i32
      %mul3A_35 = arith.muli %scan3A_33, %mul3A_34 : i32
      %add3A_36 = arith.constant 0 : i32
      %add3A_37 = arith.addi %add3A_36, %mul3A_35 : i32
      %scan3A_38 = arith.constant 0 : i32
      %scan3A_39 = arith.constant 8 : i32
      %scan3A_40 = arith.addi %scan3A_38, %scan3A_39 : i32
      %scan3A_41 = arith.constant 1 : i32
      scf.for %scan3A_43 = %scan3A_38 to %scan3A_40 step %scan3A_41  : i32 {
        %mul3A_44 = arith.constant 16 : i32
        %mul3A_45 = arith.muli %scan3A_43, %mul3A_44 : i32
        %add3A_46 = arith.constant 0 : i32
        %add3A_47 = arith.addi %add3A_46, %mul3A_45 : i32
        %broadcast_in_dim3A = arith.constant 1.000000e+00 : f32
        %broadcast_in_dim3A_48 = vector.broadcast %broadcast_in_dim3A : f32 to vector<16xf32>
        %swap3A = arith.index_cast %add3A_37 : i32 to index
        %swap3A_49 = arith.index_cast %add3A_47 : i32 to index
        %swap3A_50 = tpu.vector_load %arg5[%swap3A, %swap3A_49] {strides = array<i32>} : memref<128x128xf32, #tpu.memory_space<vmem>>, vector<1x16xf32>,
        %swap3A_51 = vector.shape_cast %swap3A_50 : vector<1x16xf32> to vector<16xf32>
        %swap3A_52 = vector.shape_cast %broadcast_in_dim3A_48 : vector<16xf32> to vector<1x16xf32>
        tpu.vector_store %arg5[%swap3A, %swap3A_49], %swap3A_52 {strides = array<i32>} : memref<128x128xf32, #tpu.memory_space<vmem>>, vector<1x16xf32>,
      }
      %scan3A_42 = arith.constant 8 : i32
    }
    %scan3A_9 = arith.constant 128 : i32
    %scan3A_10 = arith.constant 0 : i32
    %scan3A_11 = arith.constant 40 : i32
    %scan3A_12 = arith.addi %scan3A_10, %scan3A_11 : i32
    %scan3A_13 = arith.constant 1 : i32
    scf.for %scan3A_33 = %scan3A_10 to %scan3A_12 step %scan3A_13  : i32 {
      %mul3A_34 = arith.constant 16 : i32
      %mul3A_35 = arith.muli %scan3A_33, %mul3A_34 : i32
      %add3A_36 = arith.constant 0 : i32
      %add3A_37 = arith.addi %add3A_36, %mul3A_35 : i32
      %mul3A_38 = arith.constant 640 : i32
      %mul3A_39 = arith.muli %arg1, %mul3A_38 : i32
      %add3A_40 = arith.addi %mul3A_39, %add3A_37 : i32
      "tpu.region"() ({
        %run_scoped3A = tpu.sem_alloc : memref<!tpu.dma_semaphore, #tpu.memory_space<semaphore_mem>>
        %dma_start3A_41 = arith.constant 0 : i32
        %dma_start3A_42 = tpu.memref_slice %arg7[%add3A_40, %dma_start3A_41] : memref<10240x128xf32, #tpu.memory_space<vmem_shared>> -> memref<16x128xf32, #tpu.memory_space<vmem_shared>>
        %dma_start3A_43 = arith.constant 0 : i32
        %dma_start3A_44 = tpu.memref_slice %arg7[%add3A_40, %dma_start3A_43] : memref<10240x128xf32, #tpu.memory_space<vmem_shared>> -> memref<16x128xf32, #tpu.memory_space<vmem_shared>>
        tpu.enqueue_dma source(%arg6 : memref<16x128xf32, #tpu.memory_space<vmem>>) target(%dma_start3A_44 : memref<16x128xf32, #tpu.memory_space<vmem_shared>>) target_semaphore(%run_scoped3A : memref<!tpu.dma_semaphore, #tpu.memory_space<semaphore_mem>>)
        %dma_wait3A_45 = arith.constant 0 : i32
        %dma_wait3A_46 = tpu.memref_slice %arg7[%add3A_40, %dma_wait3A_45] : memref<10240x128xf32, #tpu.memory_space<vmem_shared>> -> memref<16x128xf32, #tpu.memory_space<vmem_shared>>
        %dma_wait3A_47 = arith.constant 0 : i32
        %dma_wait3A_48 = tpu.memref_slice %arg7[%add3A_40, %dma_wait3A_47] : memref<10240x128xf32, #tpu.memory_space<vmem_shared>> -> memref<16x128xf32, #tpu.memory_space<vmem_shared>>
        tpu.wait_dma2 semaphore(%run_scoped3A : memref<!tpu.dma_semaphore, #tpu.memory_space<semaphore_mem>>) src(%arg6 : memref<16x128xf32, #tpu.memory_space<vmem>>) dst(%dma_wait3A_48 : memref<16x128xf32, #tpu.memory_space<vmem_shared>>)
        tpu.yield
      }) : () -> ()
    }
    %scan3A_14 = arith.constant 40 : i32
    %mul3A_15 = arith.constant 80 : i32
    %mul3A_16 = arith.muli %add3A, %mul3A_15 : i32
    %dma_start3A = arith.constant 0 : i32
    %dma_start3A_17 = tpu.memref_slice %arg2[%mul3A_16, %dma_start3A] : memref<2560x128xi32, #tpu.memory_space<hbm>> -> memref<80x128xi32, #tpu.memory_space<hbm>>
    %dma_start3A_18 = arith.constant 0 : i32
    %dma_start3A_19 = tpu.memref_slice %arg2[%mul3A_16, %dma_start3A_18] : memref<2560x128xi32, #tpu.memory_space<hbm>> -> memref<80x128xi32, #tpu.memory_space<hbm>>
    tpu.enqueue_dma source(%dma_start3A_19 : memref<80x128xi32, #tpu.memory_space<hbm>>) target(%arg4 : memref<80x128xi32, #tpu.memory_space<vmem>>) target_semaphore(%arg8 : memref<!tpu.dma_semaphore, #tpu.memory_space<semaphore_mem>>)
    %dma_wait3A = arith.constant 0 : i32
    %dma_wait3A_20 = tpu.memref_slice %arg2[%mul3A_16, %dma_wait3A] : memref<2560x128xi32, #tpu.memory_space<hbm>> -> memref<80x128xi32, #tpu.memory_space<hbm>>
    %dma_wait3A_21 = arith.constant 0 : i32
    %dma_wait3A_22 = tpu.memref_slice %arg2[%mul3A_16, %dma_wait3A_21] : memref<2560x128xi32, #tpu.memory_space<hbm>> -> memref<80x128xi32, #tpu.memory_space<hbm>>
    tpu.wait_dma2 semaphore(%arg8 : memref<!tpu.dma_semaphore, #tpu.memory_space<semaphore_mem>>) src(%dma_wait3A_22 : memref<80x128xi32, #tpu.memory_space<hbm>>) dst(%arg4 : memref<80x128xi32, #tpu.memory_space<vmem>>)
    %barrier3A = arith.constant 0 : index
    tpu.barrier barrier_id(%barrier3A)
    %scan3A_23 = arith.constant 0 : i32
    %scan3A_24 = arith.constant 10 : i32
    %scan3A_25 = arith.addi %scan3A_23, %scan3A_24 : i32
    %scan3A_26 = arith.constant 1 : i32
    scf.for %scan3A_33 = %scan3A_23 to %scan3A_25 step %scan3A_26  : i32 {
      %mul3A_34 = arith.constant 8 : i32
      %mul3A_35 = arith.muli %scan3A_33, %mul3A_34 : i32
      %add3A_36 = arith.constant 0 : i32
      %add3A_37 = arith.addi %add3A_36, %mul3A_35 : i32
      %add3A_38 = arith.constant 0 : i32
      %add3A_39 = arith.addi %add3A_37, %add3A_38 : i32
      %dma_start3A_40 = arith.constant 0 : i32
      %dma_start3A_41 = tpu.memref_slice %arg4[%add3A_39, %dma_start3A_40] : memref<80x128xi32, #tpu.memory_space<vmem>> -> memref<1x128xi32, #tpu.memory_space<vmem>>
      %dma_start3A_42 = tpu.memref_squeeze %dma_start3A_41 : memref<1x128xi32, #tpu.memory_space<vmem>> -> memref<128xi32, #tpu.memory_space<vmem>>
      %dma_start3A_43 = arith.constant 0 : i32
      %dma_start3A_44 = arith.constant 0 : i32
      %dma_start3A_45 = tpu.memref_slice %arg7[%dma_start3A_43, %dma_start3A_44] : memref<10240x128xf32, #tpu.memory_space<vmem_shared>> -> memref<10240x128xf32, #tpu.memory_space<vmem_shared>>
      tpu.enqueue_indirect_dma source(%arg5 : memref<128x128xf32, #tpu.memory_space<vmem>>) target(%dma_start3A_45 : memref<10240x128xf32, #tpu.memory_space<vmem_shared>>) offsets(%dma_start3A_42 : memref<128xi32, #tpu.memory_space<vmem>>) semaphore(%arg8 : memref<!tpu.dma_semaphore, #tpu.memory_space<semaphore_mem>>) {add = true}
      %add3A_46 = arith.constant 1 : i32
      %add3A_47 = arith.addi %add3A_37, %add3A_46 : i32
      %dma_start3A_48 = arith.constant 0 : i32
      %dma_start3A_49 = tpu.memref_slice %arg4[%add3A_47, %dma_start3A_48] : memref<80x128xi32, #tpu.memory_space<vmem>> -> memref<1x128xi32, #tpu.memory_space<vmem>>
      %dma_start3A_50 = tpu.memref_squeeze %dma_start3A_49 : memref<1x128xi32, #tpu.memory_space<vmem>> -> memref<128xi32, #tpu.memory_space<vmem>>
      %dma_start3A_51 = arith.constant 0 : i32
      %dma_start3A_52 = arith.constant 0 : i32
      %dma_start3A_53 = tpu.memref_slice %arg7[%dma_start3A_51, %dma_start3A_52] : memref<10240x128xf32, #tpu.memory_space<vmem_shared>> -> memref<10240x128xf32, #tpu.memory_space<vmem_shared>>
      tpu.enqueue_indirect_dma source(%arg5 : memref<128x128xf32, #tpu.memory_space<vmem>>) target(%dma_start3A_53 : memref<10240x128xf32, #tpu.memory_space<vmem_shared>>) offsets(%dma_start3A_50 : memref<128xi32, #tpu.memory_space<vmem>>) semaphore(%arg8 : memref<!tpu.dma_semaphore, #tpu.memory_space<semaphore_mem>>) {add = true}
      %add3A_54 = arith.constant 2 : i32
      %add3A_55 = arith.addi %add3A_37, %add3A_54 : i32
      %dma_start3A_56 = arith.constant 0 : i32
      %dma_start3A_57 = tpu.memref_slice %arg4[%add3A_55, %dma_start3A_56] : memref<80x128xi32, #tpu.memory_space<vmem>> -> memref<1x128xi32, #tpu.memory_space<vmem>>
      %dma_start3A_58 = tpu.memref_squeeze %dma_start3A_57 : memref<1x128xi32, #tpu.memory_space<vmem>> -> memref<128xi32, #tpu.memory_space<vmem>>
      %dma_start3A_59 = arith.constant 0 : i32
      %dma_start3A_60 = arith.constant 0 : i32
      %dma_start3A_61 = tpu.memref_slice %arg7[%dma_start3A_59, %dma_start3A_60] : memref<10240x128xf32, #tpu.memory_space<vmem_shared>> -> memref<10240x128xf32, #tpu.memory_space<vmem_shared>>
      tpu.enqueue_indirect_dma source(%arg5 : memref<128x128xf32, #tpu.memory_space<vmem>>) target(%dma_start3A_61 : memref<10240x128xf32, #tpu.memory_space<vmem_shared>>) offsets(%dma_start3A_58 : memref<128xi32, #tpu.memory_space<vmem>>) semaphore(%arg8 : memref<!tpu.dma_semaphore, #tpu.memory_space<semaphore_mem>>) {add = true}
      %add3A_62 = arith.constant 3 : i32
      %add3A_63 = arith.addi %add3A_37, %add3A_62 : i32
      %dma_start3A_64 = arith.constant 0 : i32
      %dma_start3A_65 = tpu.memref_slice %arg4[%add3A_63, %dma_start3A_64] : memref<80x128xi32, #tpu.memory_space<vmem>> -> memref<1x128xi32, #tpu.memory_space<vmem>>
      %dma_start3A_66 = tpu.memref_squeeze %dma_start3A_65 : memref<1x128xi32, #tpu.memory_space<vmem>> -> memref<128xi32, #tpu.memory_space<vmem>>
      %dma_start3A_67 = arith.constant 0 : i32
      %dma_start3A_68 = arith.constant 0 : i32
      %dma_start3A_69 = tpu.memref_slice %arg7[%dma_start3A_67, %dma_start3A_68] : memref<10240x128xf32, #tpu.memory_space<vmem_shared>> -> memref<10240x128xf32, #tpu.memory_space<vmem_shared>>
      tpu.enqueue_indirect_dma source(%arg5 : memref<128x128xf32, #tpu.memory_space<vmem>>) target(%dma_start3A_69 : memref<10240x128xf32, #tpu.memory_space<vmem_shared>>) offsets(%dma_start3A_66 : memref<128xi32, #tpu.memory_space<vmem>>) semaphore(%arg8 : memref<!tpu.dma_semaphore, #tpu.memory_space<semaphore_mem>>) {add = true}
      %add3A_70 = arith.constant 4 : i32
      %add3A_71 = arith.addi %add3A_37, %add3A_70 : i32
      %dma_start3A_72 = arith.constant 0 : i32
      %dma_start3A_73 = tpu.memref_slice %arg4[%add3A_71, %dma_start3A_72] : memref<80x128xi32, #tpu.memory_space<vmem>> -> memref<1x128xi32, #tpu.memory_space<vmem>>
      %dma_start3A_74 = tpu.memref_squeeze %dma_start3A_73 : memref<1x128xi32, #tpu.memory_space<vmem>> -> memref<128xi32, #tpu.memory_space<vmem>>
      %dma_start3A_75 = arith.constant 0 : i32
      %dma_start3A_76 = arith.constant 0 : i32
      %dma_start3A_77 = tpu.memref_slice %arg7[%dma_start3A_75, %dma_start3A_76] : memref<10240x128xf32, #tpu.memory_space<vmem_shared>> -> memref<10240x128xf32, #tpu.memory_space<vmem_shared>>
      tpu.enqueue_indirect_dma source(%arg5 : memref<128x128xf32, #tpu.memory_space<vmem>>) target(%dma_start3A_77 : memref<10240x128xf32, #tpu.memory_space<vmem_shared>>) offsets(%dma_start3A_74 : memref<128xi32, #tpu.memory_space<vmem>>) semaphore(%arg8 : memref<!tpu.dma_semaphore, #tpu.memory_space<semaphore_mem>>) {add = true}
      %add3A_78 = arith.constant 5 : i32
      %add3A_79 = arith.addi %add3A_37, %add3A_78 : i32
      %dma_start3A_80 = arith.constant 0 : i32
      %dma_start3A_81 = tpu.memref_slice %arg4[%add3A_79, %dma_start3A_80] : memref<80x128xi32, #tpu.memory_space<vmem>> -> memref<1x128xi32, #tpu.memory_space<vmem>>
      %dma_start3A_82 = tpu.memref_squeeze %dma_start3A_81 : memref<1x128xi32, #tpu.memory_space<vmem>> -> memref<128xi32, #tpu.memory_space<vmem>>
      %dma_start3A_83 = arith.constant 0 : i32
      %dma_start3A_84 = arith.constant 0 : i32
      %dma_start3A_85 = tpu.memref_slice %arg7[%dma_start3A_83, %dma_start3A_84] : memref<10240x128xf32, #tpu.memory_space<vmem_shared>> -> memref<10240x128xf32, #tpu.memory_space<vmem_shared>>
      tpu.enqueue_indirect_dma source(%arg5 : memref<128x128xf32, #tpu.memory_space<vmem>>) target(%dma_start3A_85 : memref<10240x128xf32, #tpu.memory_space<vmem_shared>>) offsets(%dma_start3A_82 : memref<128xi32, #tpu.memory_space<vmem>>) semaphore(%arg8 : memref<!tpu.dma_semaphore, #tpu.memory_space<semaphore_mem>>) {add = true}
      %add3A_86 = arith.constant 6 : i32
      %add3A_87 = arith.addi %add3A_37, %add3A_86 : i32
      %dma_start3A_88 = arith.constant 0 : i32
      %dma_start3A_89 = tpu.memref_slice %arg4[%add3A_87, %dma_start3A_88] : memref<80x128xi32, #tpu.memory_space<vmem>> -> memref<1x128xi32, #tpu.memory_space<vmem>>
      %dma_start3A_90 = tpu.memref_squeeze %dma_start3A_89 : memref<1x128xi32, #tpu.memory_space<vmem>> -> memref<128xi32, #tpu.memory_space<vmem>>
      %dma_start3A_91 = arith.constant 0 : i32
      %dma_start3A_92 = arith.constant 0 : i32
      %dma_start3A_93 = tpu.memref_slice %arg7[%dma_start3A_91, %dma_start3A_92] : memref<10240x128xf32, #tpu.memory_space<vmem_shared>> -> memref<10240x128xf32, #tpu.memory_space<vmem_shared>>
      tpu.enqueue_indirect_dma source(%arg5 : memref<128x128xf32, #tpu.memory_space<vmem>>) target(%dma_start3A_93 : memref<10240x128xf32, #tpu.memory_space<vmem_shared>>) offsets(%dma_start3A_90 : memref<128xi32, #tpu.memory_space<vmem>>) semaphore(%arg8 : memref<!tpu.dma_semaphore, #tpu.memory_space<semaphore_mem>>) {add = true}
      %add3A_94 = arith.constant 7 : i32
      %add3A_95 = arith.addi %add3A_37, %add3A_94 : i32
      %dma_start3A_96 = arith.constant 0 : i32
      %dma_start3A_97 = tpu.memref_slice %arg4[%add3A_95, %dma_start3A_96] : memref<80x128xi32, #tpu.memory_space<vmem>> -> memref<1x128xi32, #tpu.memory_space<vmem>>
      %dma_start3A_98 = tpu.memref_squeeze %dma_start3A_97 : memref<1x128xi32, #tpu.memory_space<vmem>> -> memref<128xi32, #tpu.memory_space<vmem>>
      %dma_start3A_99 = arith.constant 0 : i32
      %dma_start3A_100 = arith.constant 0 : i32
      %dma_start3A_101 = tpu.memref_slice %arg7[%dma_start3A_99, %dma_start3A_100] : memref<10240x128xf32, #tpu.memory_space<vmem_shared>> -> memref<10240x128xf32, #tpu.memory_space<vmem_shared>>
      tpu.enqueue_indirect_dma source(%arg5 : memref<128x128xf32, #tpu.memory_space<vmem>>) target(%dma_start3A_101 : memref<10240x128xf32, #tpu.memory_space<vmem_shared>>) offsets(%dma_start3A_98 : memref<128xi32, #tpu.memory_space<vmem>>) semaphore(%arg8 : memref<!tpu.dma_semaphore, #tpu.memory_space<semaphore_mem>>) {add = true}
      %add3A_102 = arith.constant 0 : i32
      %add3A_103 = arith.addi %add3A_37, %add3A_102 : i32
      %dma_wait3A_104 = arith.constant 0 : i32
      %dma_wait3A_105 = tpu.memref_slice %arg4[%add3A_103, %dma_wait3A_104] : memref<80x128xi32, #tpu.memory_space<vmem>> -> memref<1x128xi32, #tpu.memory_space<vmem>>
      %dma_wait3A_106 = tpu.memref_squeeze %dma_wait3A_105 : memref<1x128xi32, #tpu.memory_space<vmem>> -> memref<128xi32, #tpu.memory_space<vmem>>
      %dma_wait3A_107 = arith.constant 0 : i32
      %dma_wait3A_108 = arith.constant 0 : i32
      %dma_wait3A_109 = tpu.memref_slice %arg7[%dma_wait3A_107, %dma_wait3A_108] : memref<10240x128xf32, #tpu.memory_space<vmem_shared>> -> memref<10240x128xf32, #tpu.memory_space<vmem_shared>>
      tpu.wait_indirect_dma semaphore(%arg8 : memref<!tpu.dma_semaphore, #tpu.memory_space<semaphore_mem>>) src(%arg5 : memref<128x128xf32, #tpu.memory_space<vmem>>) dst(%dma_wait3A_109 : memref<10240x128xf32, #tpu.memory_space<vmem_shared>>)
      %add3A_110 = arith.constant 1 : i32
      %add3A_111 = arith.addi %add3A_37, %add3A_110 : i32
      %dma_wait3A_112 = arith.constant 0 : i32
      %dma_wait3A_113 = tpu.memref_slice %arg4[%add3A_111, %dma_wait3A_112] : memref<80x128xi32, #tpu.memory_space<vmem>> -> memref<1x128xi32, #tpu.memory_space<vmem>>
      %dma_wait3A_114 = tpu.memref_squeeze %dma_wait3A_113 : memref<1x128xi32, #tpu.memory_space<vmem>> -> memref<128xi32, #tpu.memory_space<vmem>>
      %dma_wait3A_115 = arith.constant 0 : i32
      %dma_wait3A_116 = arith.constant 0 : i32
      %dma_wait3A_117 = tpu.memref_slice %arg7[%dma_wait3A_115, %dma_wait3A_116] : memref<10240x128xf32, #tpu.memory_space<vmem_shared>> -> memref<10240x128xf32, #tpu.memory_space<vmem_shared>>
      tpu.wait_indirect_dma semaphore(%arg8 : memref<!tpu.dma_semaphore, #tpu.memory_space<semaphore_mem>>) src(%arg5 : memref<128x128xf32, #tpu.memory_space<vmem>>) dst(%dma_wait3A_117 : memref<10240x128xf32, #tpu.memory_space<vmem_shared>>)
      %add3A_118 = arith.constant 2 : i32
      %add3A_119 = arith.addi %add3A_37, %add3A_118 : i32
      %dma_wait3A_120 = arith.constant 0 : i32
      %dma_wait3A_121 = tpu.memref_slice %arg4[%add3A_119, %dma_wait3A_120] : memref<80x128xi32, #tpu.memory_space<vmem>> -> memref<1x128xi32, #tpu.memory_space<vmem>>
      %dma_wait3A_122 = tpu.memref_squeeze %dma_wait3A_121 : memref<1x128xi32, #tpu.memory_space<vmem>> -> memref<128xi32, #tpu.memory_space<vmem>>
      %dma_wait3A_123 = arith.constant 0 : i32
      %dma_wait3A_124 = arith.constant 0 : i32
      %dma_wait3A_125 = tpu.memref_slice %arg7[%dma_wait3A_123, %dma_wait3A_124] : memref<10240x128xf32, #tpu.memory_space<vmem_shared>> -> memref<10240x128xf32, #tpu.memory_space<vmem_shared>>
      tpu.wait_indirect_dma semaphore(%arg8 : memref<!tpu.dma_semaphore, #tpu.memory_space<semaphore_mem>>) src(%arg5 : memref<128x128xf32, #tpu.memory_space<vmem>>) dst(%dma_wait3A_125 : memref<10240x128xf32, #tpu.memory_space<vmem_shared>>)
      %add3A_126 = arith.constant 3 : i32
      %add3A_127 = arith.addi %add3A_37, %add3A_126 : i32
      %dma_wait3A_128 = arith.constant 0 : i32
      %dma_wait3A_129 = tpu.memref_slice %arg4[%add3A_127, %dma_wait3A_128] : memref<80x128xi32, #tpu.memory_space<vmem>> -> memref<1x128xi32, #tpu.memory_space<vmem>>
      %dma_wait3A_130 = tpu.memref_squeeze %dma_wait3A_129 : memref<1x128xi32, #tpu.memory_space<vmem>> -> memref<128xi32, #tpu.memory_space<vmem>>
      %dma_wait3A_131 = arith.constant 0 : i32
      %dma_wait3A_132 = arith.constant 0 : i32
      %dma_wait3A_133 = tpu.memref_slice %arg7[%dma_wait3A_131, %dma_wait3A_132] : memref<10240x128xf32, #tpu.memory_space<vmem_shared>> -> memref<10240x128xf32, #tpu.memory_space<vmem_shared>>
      tpu.wait_indirect_dma semaphore(%arg8 : memref<!tpu.dma_semaphore, #tpu.memory_space<semaphore_mem>>) src(%arg5 : memref<128x128xf32, #tpu.memory_space<vmem>>) dst(%dma_wait3A_133 : memref<10240x128xf32, #tpu.memory_space<vmem_shared>>)
      %add3A_134 = arith.constant 4 : i32
      %add3A_135 = arith.addi %add3A_37, %add3A_134 : i32
      %dma_wait3A_136 = arith.constant 0 : i32
      %dma_wait3A_137 = tpu.memref_slice %arg4[%add3A_135, %dma_wait3A_136] : memref<80x128xi32, #tpu.memory_space<vmem>> -> memref<1x128xi32, #tpu.memory_space<vmem>>
      %dma_wait3A_138 = tpu.memref_squeeze %dma_wait3A_137 : memref<1x128xi32, #tpu.memory_space<vmem>> -> memref<128xi32, #tpu.memory_space<vmem>>
      %dma_wait3A_139 = arith.constant 0 : i32
      %dma_wait3A_140 = arith.constant 0 : i32
      %dma_wait3A_141 = tpu.memref_slice %arg7[%dma_wait3A_139, %dma_wait3A_140] : memref<10240x128xf32, #tpu.memory_space<vmem_shared>> -> memref<10240x128xf32, #tpu.memory_space<vmem_shared>>
      tpu.wait_indirect_dma semaphore(%arg8 : memref<!tpu.dma_semaphore, #tpu.memory_space<semaphore_mem>>) src(%arg5 : memref<128x128xf32, #tpu.memory_space<vmem>>) dst(%dma_wait3A_141 : memref<10240x128xf32, #tpu.memory_space<vmem_shared>>)
      %add3A_142 = arith.constant 5 : i32
      %add3A_143 = arith.addi %add3A_37, %add3A_142 : i32
      %dma_wait3A_144 = arith.constant 0 : i32
      %dma_wait3A_145 = tpu.memref_slice %arg4[%add3A_143, %dma_wait3A_144] : memref<80x128xi32, #tpu.memory_space<vmem>> -> memref<1x128xi32, #tpu.memory_space<vmem>>
      %dma_wait3A_146 = tpu.memref_squeeze %dma_wait3A_145 : memref<1x128xi32, #tpu.memory_space<vmem>> -> memref<128xi32, #tpu.memory_space<vmem>>
      %dma_wait3A_147 = arith.constant 0 : i32
      %dma_wait3A_148 = arith.constant 0 : i32
      %dma_wait3A_149 = tpu.memref_slice %arg7[%dma_wait3A_147, %dma_wait3A_148] : memref<10240x128xf32, #tpu.memory_space<vmem_shared>> -> memref<10240x128xf32, #tpu.memory_space<vmem_shared>>
      tpu.wait_indirect_dma semaphore(%arg8 : memref<!tpu.dma_semaphore, #tpu.memory_space<semaphore_mem>>) src(%arg5 : memref<128x128xf32, #tpu.memory_space<vmem>>) dst(%dma_wait3A_149 : memref<10240x128xf32, #tpu.memory_space<vmem_shared>>)
      %add3A_150 = arith.constant 6 : i32
      %add3A_151 = arith.addi %add3A_37, %add3A_150 : i32
      %dma_wait3A_152 = arith.constant 0 : i32
      %dma_wait3A_153 = tpu.memref_slice %arg4[%add3A_151, %dma_wait3A_152] : memref<80x128xi32, #tpu.memory_space<vmem>> -> memref<1x128xi32, #tpu.memory_space<vmem>>
      %dma_wait3A_154 = tpu.memref_squeeze %dma_wait3A_153 : memref<1x128xi32, #tpu.memory_space<vmem>> -> memref<128xi32, #tpu.memory_space<vmem>>
      %dma_wait3A_155 = arith.constant 0 : i32
      %dma_wait3A_156 = arith.constant 0 : i32
      %dma_wait3A_157 = tpu.memref_slice %arg7[%dma_wait3A_155, %dma_wait3A_156] : memref<10240x128xf32, #tpu.memory_space<vmem_shared>> -> memref<10240x128xf32, #tpu.memory_space<vmem_shared>>
      tpu.wait_indirect_dma semaphore(%arg8 : memref<!tpu.dma_semaphore, #tpu.memory_space<semaphore_mem>>) src(%arg5 : memref<128x128xf32, #tpu.memory_space<vmem>>) dst(%dma_wait3A_157 : memref<10240x128xf32, #tpu.memory_space<vmem_shared>>)
      %add3A_158 = arith.constant 7 : i32
      %add3A_159 = arith.addi %add3A_37, %add3A_158 : i32
      %dma_wait3A_160 = arith.constant 0 : i32
      %dma_wait3A_161 = tpu.memref_slice %arg4[%add3A_159, %dma_wait3A_160] : memref<80x128xi32, #tpu.memory_space<vmem>> -> memref<1x128xi32, #tpu.memory_space<vmem>>
      %dma_wait3A_162 = tpu.memref_squeeze %dma_wait3A_161 : memref<1x128xi32, #tpu.memory_space<vmem>> -> memref<128xi32, #tpu.memory_space<vmem>>
      %dma_wait3A_163 = arith.constant 0 : i32
      %dma_wait3A_164 = arith.constant 0 : i32
      %dma_wait3A_165 = tpu.memref_slice %arg7[%dma_wait3A_163, %dma_wait3A_164] : memref<10240x128xf32, #tpu.memory_space<vmem_shared>> -> memref<10240x128xf32, #tpu.memory_space<vmem_shared>>
      tpu.wait_indirect_dma semaphore(%arg8 : memref<!tpu.dma_semaphore, #tpu.memory_space<semaphore_mem>>) src(%arg5 : memref<128x128xf32, #tpu.memory_space<vmem>>) dst(%dma_wait3A_165 : memref<10240x128xf32, #tpu.memory_space<vmem_shared>>)
    }
    %scan3A_27 = arith.constant 10 : i32
    %barrier3A_28 = arith.constant 0 : index
    tpu.barrier barrier_id(%barrier3A_28)
    %mul3A_29 = arith.constant 640 : i32
    %mul3A_30 = arith.muli %arg1, %mul3A_29 : i32
    %mul3A_31 = arith.constant 640 : i32
    %mul3A_32 = arith.muli %arg1, %mul3A_31 : i32
    "tpu.region"() ({
      %run_scoped3A = tpu.sem_alloc : memref<!tpu.dma_semaphore, #tpu.memory_space<semaphore_mem>>
      %dma_start3A_33 = arith.constant 0 : i32
      %dma_start3A_34 = arith.constant 0 : i32
      %dma_start3A_35 = tpu.memref_slice %arg3[%arg0, %dma_start3A_33, %dma_start3A_34] : memref<2x10240x128xf32, #tpu.memory_space<hbm>> -> memref<1x10240x128xf32, #tpu.memory_space<hbm>>
      %dma_start3A_36 = tpu.memref_squeeze %dma_start3A_35 : memref<1x10240x128xf32, #tpu.memory_space<hbm>> -> memref<10240x128xf32, #tpu.memory_space<hbm>>
      %dma_start3A_37 = arith.constant 0 : i32
      %dma_start3A_38 = tpu.memref_slice %dma_start3A_36[%mul3A_32, %dma_start3A_37] : memref<10240x128xf32, #tpu.memory_space<hbm>> -> memref<640x128xf32, #tpu.memory_space<hbm>>
      %dma_start3A_39 = arith.constant 0 : i32
      %dma_start3A_40 = tpu.memref_slice %arg7[%mul3A_30, %dma_start3A_39] : memref<10240x128xf32, #tpu.memory_space<vmem_shared>> -> memref<640x128xf32, #tpu.memory_space<vmem_shared>>
      tpu.enqueue_dma source(%dma_start3A_40 : memref<640x128xf32, #tpu.memory_space<vmem_shared>>) target(%dma_start3A_38 : memref<640x128xf32, #tpu.memory_space<hbm>>) target_semaphore(%run_scoped3A : memref<!tpu.dma_semaphore, #tpu.memory_space<semaphore_mem>>)
      %dma_wait3A_41 = arith.constant 0 : i32
      %dma_wait3A_42 = arith.constant 0 : i32
      %dma_wait3A_43 = tpu.memref_slice %arg3[%arg0, %dma_wait3A_41, %dma_wait3A_42] : memref<2x10240x128xf32, #tpu.memory_space<hbm>> -> memref<1x10240x128xf32, #tpu.memory_space<hbm>>
      %dma_wait3A_44 = tpu.memref_squeeze %dma_wait3A_43 : memref<1x10240x128xf32, #tpu.memory_space<hbm>> -> memref<10240x128xf32, #tpu.memory_space<hbm>>
      %dma_wait3A_45 = arith.constant 0 : i32
      %dma_wait3A_46 = tpu.memref_slice %dma_wait3A_44[%mul3A_32, %dma_wait3A_45] : memref<10240x128xf32, #tpu.memory_space<hbm>> -> memref<640x128xf32, #tpu.memory_space<hbm>>
      %dma_wait3A_47 = arith.constant 0 : i32
      %dma_wait3A_48 = tpu.memref_slice %arg7[%mul3A_30, %dma_wait3A_47] : memref<10240x128xf32, #tpu.memory_space<vmem_shared>> -> memref<640x128xf32, #tpu.memory_space<vmem_shared>>
      tpu.wait_dma2 semaphore(%run_scoped3A : memref<!tpu.dma_semaphore, #tpu.memory_space<semaphore_mem>>) src(%dma_wait3A_48 : memref<640x128xf32, #tpu.memory_space<vmem_shared>>) dst(%dma_wait3A_46 : memref<640x128xf32, #tpu.memory_space<hbm>>)
      tpu.yield
    }) : () -> ()
    return
  }
}

#map = affine_map<(d0, d1) -> (0, 0)>
#map1 = affine_map<(d0, d1) -> (0, 0, 0)>
module attributes {stable_mosaic.version = 14 : i64} {
  func.func @_sc_aggregate(%arg0: i32, %arg1: i32, %arg2: memref<10000x128xf32, #tpu.memory_space<hbm>>, %arg3: memref<2560x128xi32, #tpu.memory_space<hbm>>, %arg4: memref<2560x128xi32, #tpu.memory_space<hbm>>, %arg5: memref<2x10240x128xf32, #tpu.memory_space<hbm>>, %arg6: memref<40x128xi32, #tpu.memory_space<vmem>>, %arg7: memref<40x128xi32, #tpu.memory_space<vmem>>, %arg8: memref<128x128xf32, #tpu.memory_space<vmem>>, %arg9: memref<128x128xf32, #tpu.memory_space<vmem>>, %arg10: memref<16x128xf32, #tpu.memory_space<vmem>>, %arg11: memref<10240x128xf32, #tpu.memory_space<vmem_shared>>, %arg12: memref<!tpu.dma_semaphore, #tpu.memory_space<semaphore_mem>>, %arg13: memref<!tpu.dma_semaphore, #tpu.memory_space<semaphore_mem>>, %arg14: memref<!tpu.dma_semaphore, #tpu.memory_space<semaphore_mem>>) attributes {dimension_semantics = [#tpu.dimension_semantics<core_parallel>, #tpu.dimension_semantics<subcore_parallel>], iteration_bounds = array<i64: 2, 16>, scalar_prefetch = 0 : i64, scratch_operands = 9 : i64, tpu.core_type = #tpu.core_type<sc_vector_subcore>, window_params = [{transform_indices = #map}, {transform_indices = #map}, {transform_indices = #map}, {transform_indices = #map1}]} {
    %eq3A = arith.constant 0 : i32
    %eq3A_0 = arith.cmpi eq, %arg0, %eq3A : i32
    %jit3A = arith.constant 80 : i32
    %jit3A_1 = arith.constant 80 : i32
    %select_n3A = arith.select %eq3A_0, %jit3A, %jit3A_1 : i32
    %jit3A_2 = arith.constant 0 : i32
    %jit3A_3 = arith.constant 1280 : i32
    %select_n3A_4 = arith.select %eq3A_0, %jit3A_2, %jit3A_3 : i32
    %jit3A_5 = arith.constant 2 : i32
    %jit3A_6 = arith.constant 2 : i32
    %select_n3A_7 = arith.select %eq3A_0, %jit3A_5, %jit3A_6 : i32
    %mul3A = arith.muli %arg1, %select_n3A : i32
    %add3A = arith.addi %select_n3A_4, %mul3A : i32
    %scan3A = arith.constant 0 : i32
    %scan3A_8 = arith.constant 16 : i32
    %scan3A_9 = arith.addi %scan3A, %scan3A_8 : i32
    %scan3A_10 = arith.constant 1 : i32
    scf.for %scan3A_38 = %scan3A to %scan3A_9 step %scan3A_10  : i32 {
      %mul3A_39 = arith.constant 1 : i32
      %mul3A_40 = arith.muli %scan3A_38, %mul3A_39 : i32
      %add3A_41 = arith.constant 0 : i32
      %add3A_42 = arith.addi %add3A_41, %mul3A_40 : i32
      %scan3A_43 = arith.constant 0 : i32
      %scan3A_44 = arith.constant 8 : i32
      %scan3A_45 = arith.addi %scan3A_43, %scan3A_44 : i32
      %scan3A_46 = arith.constant 1 : i32
      scf.for %scan3A_48 = %scan3A_43 to %scan3A_45 step %scan3A_46  : i32 {
        %mul3A_49 = arith.constant 16 : i32
        %mul3A_50 = arith.muli %scan3A_48, %mul3A_49 : i32
        %add3A_51 = arith.constant 0 : i32
        %add3A_52 = arith.addi %add3A_51, %mul3A_50 : i32
        %broadcast_in_dim3A = arith.constant 0.000000e+00 : f32
        %broadcast_in_dim3A_53 = vector.broadcast %broadcast_in_dim3A : f32 to vector<16xf32>
        %swap3A = arith.index_cast %add3A_42 : i32 to index
        %swap3A_54 = arith.index_cast %add3A_52 : i32 to index
        %swap3A_55 = tpu.vector_load %arg10[%swap3A, %swap3A_54] {strides = array<i32>} : memref<16x128xf32, #tpu.memory_space<vmem>>, vector<1x16xf32>,
        %swap3A_56 = vector.shape_cast %swap3A_55 : vector<1x16xf32> to vector<16xf32>
        %swap3A_57 = vector.shape_cast %broadcast_in_dim3A_53 : vector<16xf32> to vector<1x16xf32>
        tpu.vector_store %arg10[%swap3A, %swap3A_54], %swap3A_57 {strides = array<i32>} : memref<16x128xf32, #tpu.memory_space<vmem>>, vector<1x16xf32>,
      }
      %scan3A_47 = arith.constant 8 : i32
    }
    %scan3A_11 = arith.constant 16 : i32
    %scan3A_12 = arith.constant 0 : i32
    %scan3A_13 = arith.constant 40 : i32
    %scan3A_14 = arith.addi %scan3A_12, %scan3A_13 : i32
    %scan3A_15 = arith.constant 1 : i32
    scf.for %scan3A_38 = %scan3A_12 to %scan3A_14 step %scan3A_15  : i32 {
      %mul3A_39 = arith.constant 16 : i32
      %mul3A_40 = arith.muli %scan3A_38, %mul3A_39 : i32
      %add3A_41 = arith.constant 0 : i32
      %add3A_42 = arith.addi %add3A_41, %mul3A_40 : i32
      %mul3A_43 = arith.constant 640 : i32
      %mul3A_44 = arith.muli %arg1, %mul3A_43 : i32
      %add3A_45 = arith.addi %mul3A_44, %add3A_42 : i32
      "tpu.region"() ({
        %run_scoped3A = tpu.sem_alloc : memref<!tpu.dma_semaphore, #tpu.memory_space<semaphore_mem>>
        %dma_start3A = arith.constant 0 : i32
        %dma_start3A_46 = tpu.memref_slice %arg11[%add3A_45, %dma_start3A] : memref<10240x128xf32, #tpu.memory_space<vmem_shared>> -> memref<16x128xf32, #tpu.memory_space<vmem_shared>>
        %dma_start3A_47 = arith.constant 0 : i32
        %dma_start3A_48 = tpu.memref_slice %arg11[%add3A_45, %dma_start3A_47] : memref<10240x128xf32, #tpu.memory_space<vmem_shared>> -> memref<16x128xf32, #tpu.memory_space<vmem_shared>>
        tpu.enqueue_dma source(%arg10 : memref<16x128xf32, #tpu.memory_space<vmem>>) target(%dma_start3A_48 : memref<16x128xf32, #tpu.memory_space<vmem_shared>>) target_semaphore(%run_scoped3A : memref<!tpu.dma_semaphore, #tpu.memory_space<semaphore_mem>>)
        %dma_wait3A = arith.constant 0 : i32
        %dma_wait3A_49 = tpu.memref_slice %arg11[%add3A_45, %dma_wait3A] : memref<10240x128xf32, #tpu.memory_space<vmem_shared>> -> memref<16x128xf32, #tpu.memory_space<vmem_shared>>
        %dma_wait3A_50 = arith.constant 0 : i32
        %dma_wait3A_51 = tpu.memref_slice %arg11[%add3A_45, %dma_wait3A_50] : memref<10240x128xf32, #tpu.memory_space<vmem_shared>> -> memref<16x128xf32, #tpu.memory_space<vmem_shared>>
        tpu.wait_dma2 semaphore(%run_scoped3A : memref<!tpu.dma_semaphore, #tpu.memory_space<semaphore_mem>>) src(%arg10 : memref<16x128xf32, #tpu.memory_space<vmem>>) dst(%dma_wait3A_51 : memref<16x128xf32, #tpu.memory_space<vmem_shared>>)
        tpu.yield
      }) : () -> ()
    }
    %scan3A_16 = arith.constant 40 : i32
    %barrier3A = arith.constant 0 : index
    tpu.barrier barrier_id(%barrier3A)
    %sub3A = arith.constant 0 : i32
    %sub3A_17 = arith.subi %select_n3A_7, %sub3A : i32
    %sub3A_18 = arith.constant 1 : i32
    %sub3A_19 = arith.constant 1 : i32
    %sub3A_20 = arith.subi %sub3A_18, %sub3A_19 : i32
    %add3A_21 = arith.addi %sub3A_17, %sub3A_20 : i32
    %div3A = arith.constant 1 : i32
    %div3A_22 = arith.divsi %add3A_21, %div3A : i32
    %while3A = arith.constant 1 : i32
    %while3A_23 = arith.constant 0 : i32
    %while3A_24 = arith.constant 0 : i32
    %while3A_25 = arith.subi %div3A_22, %while3A_24 : i32
    %while3A_26 = arith.addi %while3A_24, %while3A_25 : i32
    %while3A_27 = arith.constant 1 : i32
    %while3A_28 = arith.divsi %while3A_25, %while3A_27 : i32
    %while3A_29 = arith.muli %while3A_28, %while3A_27 : i32
    %while3A_30 = arith.addi %while3A_24, %while3A_29 : i32
    %while3A_31 = arith.constant 1 : i32
    scf.for %while3A_38 = %while3A_24 to %while3A_30 step %while3A_31  : i32 {
      %mul3A_39 = arith.muli %while3A_38, %while3A : i32
      %add3A_40 = arith.addi %while3A_23, %mul3A_39 : i32
      %mul3A_41 = arith.constant 40 : i32
      %mul3A_42 = arith.muli %add3A_40, %mul3A_41 : i32
      %add3A_43 = arith.addi %add3A, %mul3A_42 : i32
      %dma_start3A = arith.constant 0 : i32
      %dma_start3A_44 = tpu.memref_slice %arg3[%add3A_43, %dma_start3A] : memref<2560x128xi32, #tpu.memory_space<hbm>> -> memref<40x128xi32, #tpu.memory_space<hbm>>
      %dma_start3A_45 = arith.constant 0 : i32
      %dma_start3A_46 = tpu.memref_slice %arg3[%add3A_43, %dma_start3A_45] : memref<2560x128xi32, #tpu.memory_space<hbm>> -> memref<40x128xi32, #tpu.memory_space<hbm>>
      tpu.enqueue_dma source(%dma_start3A_46 : memref<40x128xi32, #tpu.memory_space<hbm>>) target(%arg6 : memref<40x128xi32, #tpu.memory_space<vmem>>) target_semaphore(%arg12 : memref<!tpu.dma_semaphore, #tpu.memory_space<semaphore_mem>>)
      %dma_wait3A = arith.constant 0 : i32
      %dma_wait3A_47 = tpu.memref_slice %arg3[%add3A_43, %dma_wait3A] : memref<2560x128xi32, #tpu.memory_space<hbm>> -> memref<40x128xi32, #tpu.memory_space<hbm>>
      %dma_wait3A_48 = arith.constant 0 : i32
      %dma_wait3A_49 = tpu.memref_slice %arg3[%add3A_43, %dma_wait3A_48] : memref<2560x128xi32, #tpu.memory_space<hbm>> -> memref<40x128xi32, #tpu.memory_space<hbm>>
      tpu.wait_dma2 semaphore(%arg12 : memref<!tpu.dma_semaphore, #tpu.memory_space<semaphore_mem>>) src(%dma_wait3A_49 : memref<40x128xi32, #tpu.memory_space<hbm>>) dst(%arg6 : memref<40x128xi32, #tpu.memory_space<vmem>>)
      %dma_start3A_50 = arith.constant 0 : i32
      %dma_start3A_51 = tpu.memref_slice %arg4[%add3A_43, %dma_start3A_50] : memref<2560x128xi32, #tpu.memory_space<hbm>> -> memref<40x128xi32, #tpu.memory_space<hbm>>
      %dma_start3A_52 = arith.constant 0 : i32
      %dma_start3A_53 = tpu.memref_slice %arg4[%add3A_43, %dma_start3A_52] : memref<2560x128xi32, #tpu.memory_space<hbm>> -> memref<40x128xi32, #tpu.memory_space<hbm>>
      tpu.enqueue_dma source(%dma_start3A_53 : memref<40x128xi32, #tpu.memory_space<hbm>>) target(%arg7 : memref<40x128xi32, #tpu.memory_space<vmem>>) target_semaphore(%arg12 : memref<!tpu.dma_semaphore, #tpu.memory_space<semaphore_mem>>)
      %dma_wait3A_54 = arith.constant 0 : i32
      %dma_wait3A_55 = tpu.memref_slice %arg4[%add3A_43, %dma_wait3A_54] : memref<2560x128xi32, #tpu.memory_space<hbm>> -> memref<40x128xi32, #tpu.memory_space<hbm>>
      %dma_wait3A_56 = arith.constant 0 : i32
      %dma_wait3A_57 = tpu.memref_slice %arg4[%add3A_43, %dma_wait3A_56] : memref<2560x128xi32, #tpu.memory_space<hbm>> -> memref<40x128xi32, #tpu.memory_space<hbm>>
      tpu.wait_dma2 semaphore(%arg12 : memref<!tpu.dma_semaphore, #tpu.memory_space<semaphore_mem>>) src(%dma_wait3A_57 : memref<40x128xi32, #tpu.memory_space<hbm>>) dst(%arg7 : memref<40x128xi32, #tpu.memory_space<vmem>>)
      %dma_start3A_58 = arith.constant 0 : i32
      %dma_start3A_59 = arith.constant 0 : i32
      %dma_start3A_60 = tpu.memref_slice %arg6[%dma_start3A_58, %dma_start3A_59] : memref<40x128xi32, #tpu.memory_space<vmem>> -> memref<1x128xi32, #tpu.memory_space<vmem>>
      %dma_start3A_61 = tpu.memref_squeeze %dma_start3A_60 : memref<1x128xi32, #tpu.memory_space<vmem>> -> memref<128xi32, #tpu.memory_space<vmem>>
      %dma_start3A_62 = arith.constant 0 : i32
      %dma_start3A_63 = arith.constant 0 : i32
      %dma_start3A_64 = tpu.memref_slice %arg2[%dma_start3A_62, %dma_start3A_63] : memref<10000x128xf32, #tpu.memory_space<hbm>> -> memref<10000x128xf32, #tpu.memory_space<hbm>>
      tpu.enqueue_indirect_dma source(%dma_start3A_64 : memref<10000x128xf32, #tpu.memory_space<hbm>>) target(%arg8 : memref<128x128xf32, #tpu.memory_space<vmem>>) offsets(%dma_start3A_61 : memref<128xi32, #tpu.memory_space<vmem>>) semaphore(%arg13 : memref<!tpu.dma_semaphore, #tpu.memory_space<semaphore_mem>>)
      %scan3A_65 = arith.constant 0 : i32
      %scan3A_66 = arith.constant 20 : i32
      %scan3A_67 = arith.addi %scan3A_65, %scan3A_66 : i32
      %scan3A_68 = arith.constant 1 : i32
      scf.for %scan3A_70 = %scan3A_65 to %scan3A_67 step %scan3A_68  : i32 {
        %mul3A_71 = arith.constant 2 : i32
        %mul3A_72 = arith.muli %scan3A_70, %mul3A_71 : i32
        %add3A_73 = arith.constant 0 : i32
        %add3A_74 = arith.addi %add3A_73, %mul3A_72 : i32
        %add3A_75 = arith.constant 1 : i32
        %add3A_76 = arith.addi %add3A_74, %add3A_75 : i32
        %dma_start3A_77 = arith.constant 0 : i32
        %dma_start3A_78 = tpu.memref_slice %arg6[%add3A_76, %dma_start3A_77] : memref<40x128xi32, #tpu.memory_space<vmem>> -> memref<1x128xi32, #tpu.memory_space<vmem>>
        %dma_start3A_79 = tpu.memref_squeeze %dma_start3A_78 : memref<1x128xi32, #tpu.memory_space<vmem>> -> memref<128xi32, #tpu.memory_space<vmem>>
        %dma_start3A_80 = arith.constant 0 : i32
        %dma_start3A_81 = arith.constant 0 : i32
        %dma_start3A_82 = tpu.memref_slice %arg2[%dma_start3A_80, %dma_start3A_81] : memref<10000x128xf32, #tpu.memory_space<hbm>> -> memref<10000x128xf32, #tpu.memory_space<hbm>>
        tpu.enqueue_indirect_dma source(%dma_start3A_82 : memref<10000x128xf32, #tpu.memory_space<hbm>>) target(%arg9 : memref<128x128xf32, #tpu.memory_space<vmem>>) offsets(%dma_start3A_79 : memref<128xi32, #tpu.memory_space<vmem>>) semaphore(%arg14 : memref<!tpu.dma_semaphore, #tpu.memory_space<semaphore_mem>>)
        %dma_wait3A_83 = arith.constant 0 : i32
        %dma_wait3A_84 = tpu.memref_slice %arg6[%add3A_74, %dma_wait3A_83] : memref<40x128xi32, #tpu.memory_space<vmem>> -> memref<1x128xi32, #tpu.memory_space<vmem>>
        %dma_wait3A_85 = tpu.memref_squeeze %dma_wait3A_84 : memref<1x128xi32, #tpu.memory_space<vmem>> -> memref<128xi32, #tpu.memory_space<vmem>>
        %dma_wait3A_86 = arith.constant 0 : i32
        %dma_wait3A_87 = arith.constant 0 : i32
        %dma_wait3A_88 = tpu.memref_slice %arg2[%dma_wait3A_86, %dma_wait3A_87] : memref<10000x128xf32, #tpu.memory_space<hbm>> -> memref<10000x128xf32, #tpu.memory_space<hbm>>
        tpu.wait_indirect_dma semaphore(%arg13 : memref<!tpu.dma_semaphore, #tpu.memory_space<semaphore_mem>>) src(%dma_wait3A_88 : memref<10000x128xf32, #tpu.memory_space<hbm>>) dst(%arg8 : memref<128x128xf32, #tpu.memory_space<vmem>>)
        "tpu.region"() ({
          %run_scoped3A = tpu.sem_alloc : memref<!tpu.dma_semaphore, #tpu.memory_space<semaphore_mem>>
          %dma_start3A_103 = arith.constant 0 : i32
          %dma_start3A_104 = tpu.memref_slice %arg7[%add3A_74, %dma_start3A_103] : memref<40x128xi32, #tpu.memory_space<vmem>> -> memref<1x128xi32, #tpu.memory_space<vmem>>
          %dma_start3A_105 = tpu.memref_squeeze %dma_start3A_104 : memref<1x128xi32, #tpu.memory_space<vmem>> -> memref<128xi32, #tpu.memory_space<vmem>>
          %dma_start3A_106 = arith.constant 0 : i32
          %dma_start3A_107 = arith.constant 0 : i32
          %dma_start3A_108 = tpu.memref_slice %arg11[%dma_start3A_106, %dma_start3A_107] : memref<10240x128xf32, #tpu.memory_space<vmem_shared>> -> memref<10240x128xf32, #tpu.memory_space<vmem_shared>>
          tpu.enqueue_indirect_dma source(%arg8 : memref<128x128xf32, #tpu.memory_space<vmem>>) target(%dma_start3A_108 : memref<10240x128xf32, #tpu.memory_space<vmem_shared>>) offsets(%dma_start3A_105 : memref<128xi32, #tpu.memory_space<vmem>>) semaphore(%run_scoped3A : memref<!tpu.dma_semaphore, #tpu.memory_space<semaphore_mem>>) {add = true}
          %dma_wait3A_109 = arith.constant 0 : i32
          %dma_wait3A_110 = tpu.memref_slice %arg7[%add3A_74, %dma_wait3A_109] : memref<40x128xi32, #tpu.memory_space<vmem>> -> memref<1x128xi32, #tpu.memory_space<vmem>>
          %dma_wait3A_111 = tpu.memref_squeeze %dma_wait3A_110 : memref<1x128xi32, #tpu.memory_space<vmem>> -> memref<128xi32, #tpu.memory_space<vmem>>
          %dma_wait3A_112 = arith.constant 0 : i32
          %dma_wait3A_113 = arith.constant 0 : i32
          %dma_wait3A_114 = tpu.memref_slice %arg11[%dma_wait3A_112, %dma_wait3A_113] : memref<10240x128xf32, #tpu.memory_space<vmem_shared>> -> memref<10240x128xf32, #tpu.memory_space<vmem_shared>>
          tpu.wait_indirect_dma semaphore(%run_scoped3A : memref<!tpu.dma_semaphore, #tpu.memory_space<semaphore_mem>>) src(%arg8 : memref<128x128xf32, #tpu.memory_space<vmem>>) dst(%dma_wait3A_114 : memref<10240x128xf32, #tpu.memory_space<vmem_shared>>)
          tpu.yield
        }) : () -> ()
        %add3A_89 = arith.constant 2 : i32
        %add3A_90 = arith.addi %add3A_74, %add3A_89 : i32
        %lt3A = arith.constant 40 : i32
        %lt3A_91 = arith.cmpi slt, %add3A_90, %lt3A : i32
        %convert_element_type3A = arith.extui %lt3A_91 : i1 to i32
        %cond3A = arith.constant 0 : i32
        %cond3A_92 = arith.cmpi ne, %convert_element_type3A, %cond3A : i32
        scf.if %cond3A_92 {
          %add3A_103 = arith.constant 2 : i32
          %add3A_104 = arith.addi %add3A_74, %add3A_103 : i32
          %dma_start3A_105 = arith.constant 0 : i32
          %dma_start3A_106 = tpu.memref_slice %arg6[%add3A_104, %dma_start3A_105] : memref<40x128xi32, #tpu.memory_space<vmem>> -> memref<1x128xi32, #tpu.memory_space<vmem>>
          %dma_start3A_107 = tpu.memref_squeeze %dma_start3A_106 : memref<1x128xi32, #tpu.memory_space<vmem>> -> memref<128xi32, #tpu.memory_space<vmem>>
          %dma_start3A_108 = arith.constant 0 : i32
          %dma_start3A_109 = arith.constant 0 : i32
          %dma_start3A_110 = tpu.memref_slice %arg2[%dma_start3A_108, %dma_start3A_109] : memref<10000x128xf32, #tpu.memory_space<hbm>> -> memref<10000x128xf32, #tpu.memory_space<hbm>>
          tpu.enqueue_indirect_dma source(%dma_start3A_110 : memref<10000x128xf32, #tpu.memory_space<hbm>>) target(%arg8 : memref<128x128xf32, #tpu.memory_space<vmem>>) offsets(%dma_start3A_107 : memref<128xi32, #tpu.memory_space<vmem>>) semaphore(%arg13 : memref<!tpu.dma_semaphore, #tpu.memory_space<semaphore_mem>>)
        } else {
        }
        %add3A_93 = arith.constant 1 : i32
        %add3A_94 = arith.addi %add3A_74, %add3A_93 : i32
        %dma_wait3A_95 = arith.constant 0 : i32
        %dma_wait3A_96 = tpu.memref_slice %arg6[%add3A_94, %dma_wait3A_95] : memref<40x128xi32, #tpu.memory_space<vmem>> -> memref<1x128xi32, #tpu.memory_space<vmem>>
        %dma_wait3A_97 = tpu.memref_squeeze %dma_wait3A_96 : memref<1x128xi32, #tpu.memory_space<vmem>> -> memref<128xi32, #tpu.memory_space<vmem>>
        %dma_wait3A_98 = arith.constant 0 : i32
        %dma_wait3A_99 = arith.constant 0 : i32
        %dma_wait3A_100 = tpu.memref_slice %arg2[%dma_wait3A_98, %dma_wait3A_99] : memref<10000x128xf32, #tpu.memory_space<hbm>> -> memref<10000x128xf32, #tpu.memory_space<hbm>>
        tpu.wait_indirect_dma semaphore(%arg14 : memref<!tpu.dma_semaphore, #tpu.memory_space<semaphore_mem>>) src(%dma_wait3A_100 : memref<10000x128xf32, #tpu.memory_space<hbm>>) dst(%arg9 : memref<128x128xf32, #tpu.memory_space<vmem>>)
        %add3A_101 = arith.constant 1 : i32
        %add3A_102 = arith.addi %add3A_74, %add3A_101 : i32
        "tpu.region"() ({
          %run_scoped3A = tpu.sem_alloc : memref<!tpu.dma_semaphore, #tpu.memory_space<semaphore_mem>>
          %dma_start3A_103 = arith.constant 0 : i32
          %dma_start3A_104 = tpu.memref_slice %arg7[%add3A_102, %dma_start3A_103] : memref<40x128xi32, #tpu.memory_space<vmem>> -> memref<1x128xi32, #tpu.memory_space<vmem>>
          %dma_start3A_105 = tpu.memref_squeeze %dma_start3A_104 : memref<1x128xi32, #tpu.memory_space<vmem>> -> memref<128xi32, #tpu.memory_space<vmem>>
          %dma_start3A_106 = arith.constant 0 : i32
          %dma_start3A_107 = arith.constant 0 : i32
          %dma_start3A_108 = tpu.memref_slice %arg11[%dma_start3A_106, %dma_start3A_107] : memref<10240x128xf32, #tpu.memory_space<vmem_shared>> -> memref<10240x128xf32, #tpu.memory_space<vmem_shared>>
          tpu.enqueue_indirect_dma source(%arg9 : memref<128x128xf32, #tpu.memory_space<vmem>>) target(%dma_start3A_108 : memref<10240x128xf32, #tpu.memory_space<vmem_shared>>) offsets(%dma_start3A_105 : memref<128xi32, #tpu.memory_space<vmem>>) semaphore(%run_scoped3A : memref<!tpu.dma_semaphore, #tpu.memory_space<semaphore_mem>>) {add = true}
          %dma_wait3A_109 = arith.constant 0 : i32
          %dma_wait3A_110 = tpu.memref_slice %arg7[%add3A_102, %dma_wait3A_109] : memref<40x128xi32, #tpu.memory_space<vmem>> -> memref<1x128xi32, #tpu.memory_space<vmem>>
          %dma_wait3A_111 = tpu.memref_squeeze %dma_wait3A_110 : memref<1x128xi32, #tpu.memory_space<vmem>> -> memref<128xi32, #tpu.memory_space<vmem>>
          %dma_wait3A_112 = arith.constant 0 : i32
          %dma_wait3A_113 = arith.constant 0 : i32
          %dma_wait3A_114 = tpu.memref_slice %arg11[%dma_wait3A_112, %dma_wait3A_113] : memref<10240x128xf32, #tpu.memory_space<vmem_shared>> -> memref<10240x128xf32, #tpu.memory_space<vmem_shared>>
          tpu.wait_indirect_dma semaphore(%run_scoped3A : memref<!tpu.dma_semaphore, #tpu.memory_space<semaphore_mem>>) src(%arg9 : memref<128x128xf32, #tpu.memory_space<vmem>>) dst(%dma_wait3A_114 : memref<10240x128xf32, #tpu.memory_space<vmem_shared>>)
          tpu.yield
        }) : () -> ()
      }
      %scan3A_69 = arith.constant 20 : i32
    }
    %while3A_32 = arith.constant 1 : i32
    scf.for %while3A_38 = %while3A_30 to %while3A_26 step %while3A_32  : i32 {
      %mul3A_39 = arith.muli %while3A_38, %while3A : i32
      %add3A_40 = arith.addi %while3A_23, %mul3A_39 : i32
      %mul3A_41 = arith.constant 40 : i32
      %mul3A_42 = arith.muli %add3A_40, %mul3A_41 : i32
      %add3A_43 = arith.addi %add3A, %mul3A_42 : i32
      %dma_start3A = arith.constant 0 : i32
      %dma_start3A_44 = tpu.memref_slice %arg3[%add3A_43, %dma_start3A] : memref<2560x128xi32, #tpu.memory_space<hbm>> -> memref<40x128xi32, #tpu.memory_space<hbm>>
      %dma_start3A_45 = arith.constant 0 : i32
      %dma_start3A_46 = tpu.memref_slice %arg3[%add3A_43, %dma_start3A_45] : memref<2560x128xi32, #tpu.memory_space<hbm>> -> memref<40x128xi32, #tpu.memory_space<hbm>>
      tpu.enqueue_dma source(%dma_start3A_46 : memref<40x128xi32, #tpu.memory_space<hbm>>) target(%arg6 : memref<40x128xi32, #tpu.memory_space<vmem>>) target_semaphore(%arg12 : memref<!tpu.dma_semaphore, #tpu.memory_space<semaphore_mem>>)
      %dma_wait3A = arith.constant 0 : i32
      %dma_wait3A_47 = tpu.memref_slice %arg3[%add3A_43, %dma_wait3A] : memref<2560x128xi32, #tpu.memory_space<hbm>> -> memref<40x128xi32, #tpu.memory_space<hbm>>
      %dma_wait3A_48 = arith.constant 0 : i32
      %dma_wait3A_49 = tpu.memref_slice %arg3[%add3A_43, %dma_wait3A_48] : memref<2560x128xi32, #tpu.memory_space<hbm>> -> memref<40x128xi32, #tpu.memory_space<hbm>>
      tpu.wait_dma2 semaphore(%arg12 : memref<!tpu.dma_semaphore, #tpu.memory_space<semaphore_mem>>) src(%dma_wait3A_49 : memref<40x128xi32, #tpu.memory_space<hbm>>) dst(%arg6 : memref<40x128xi32, #tpu.memory_space<vmem>>)
      %dma_start3A_50 = arith.constant 0 : i32
      %dma_start3A_51 = tpu.memref_slice %arg4[%add3A_43, %dma_start3A_50] : memref<2560x128xi32, #tpu.memory_space<hbm>> -> memref<40x128xi32, #tpu.memory_space<hbm>>
      %dma_start3A_52 = arith.constant 0 : i32
      %dma_start3A_53 = tpu.memref_slice %arg4[%add3A_43, %dma_start3A_52] : memref<2560x128xi32, #tpu.memory_space<hbm>> -> memref<40x128xi32, #tpu.memory_space<hbm>>
      tpu.enqueue_dma source(%dma_start3A_53 : memref<40x128xi32, #tpu.memory_space<hbm>>) target(%arg7 : memref<40x128xi32, #tpu.memory_space<vmem>>) target_semaphore(%arg12 : memref<!tpu.dma_semaphore, #tpu.memory_space<semaphore_mem>>)
      %dma_wait3A_54 = arith.constant 0 : i32
      %dma_wait3A_55 = tpu.memref_slice %arg4[%add3A_43, %dma_wait3A_54] : memref<2560x128xi32, #tpu.memory_space<hbm>> -> memref<40x128xi32, #tpu.memory_space<hbm>>
      %dma_wait3A_56 = arith.constant 0 : i32
      %dma_wait3A_57 = tpu.memref_slice %arg4[%add3A_43, %dma_wait3A_56] : memref<2560x128xi32, #tpu.memory_space<hbm>> -> memref<40x128xi32, #tpu.memory_space<hbm>>
      tpu.wait_dma2 semaphore(%arg12 : memref<!tpu.dma_semaphore, #tpu.memory_space<semaphore_mem>>) src(%dma_wait3A_57 : memref<40x128xi32, #tpu.memory_space<hbm>>) dst(%arg7 : memref<40x128xi32, #tpu.memory_space<vmem>>)
      %dma_start3A_58 = arith.constant 0 : i32
      %dma_start3A_59 = arith.constant 0 : i32
      %dma_start3A_60 = tpu.memref_slice %arg6[%dma_start3A_58, %dma_start3A_59] : memref<40x128xi32, #tpu.memory_space<vmem>> -> memref<1x128xi32, #tpu.memory_space<vmem>>
      %dma_start3A_61 = tpu.memref_squeeze %dma_start3A_60 : memref<1x128xi32, #tpu.memory_space<vmem>> -> memref<128xi32, #tpu.memory_space<vmem>>
      %dma_start3A_62 = arith.constant 0 : i32
      %dma_start3A_63 = arith.constant 0 : i32
      %dma_start3A_64 = tpu.memref_slice %arg2[%dma_start3A_62, %dma_start3A_63] : memref<10000x128xf32, #tpu.memory_space<hbm>> -> memref<10000x128xf32, #tpu.memory_space<hbm>>
      tpu.enqueue_indirect_dma source(%dma_start3A_64 : memref<10000x128xf32, #tpu.memory_space<hbm>>) target(%arg8 : memref<128x128xf32, #tpu.memory_space<vmem>>) offsets(%dma_start3A_61 : memref<128xi32, #tpu.memory_space<vmem>>) semaphore(%arg13 : memref<!tpu.dma_semaphore, #tpu.memory_space<semaphore_mem>>)
      %scan3A_65 = arith.constant 0 : i32
      %scan3A_66 = arith.constant 20 : i32
      %scan3A_67 = arith.addi %scan3A_65, %scan3A_66 : i32
      %scan3A_68 = arith.constant 1 : i32
      scf.for %scan3A_70 = %scan3A_65 to %scan3A_67 step %scan3A_68  : i32 {
        %mul3A_71 = arith.constant 2 : i32
        %mul3A_72 = arith.muli %scan3A_70, %mul3A_71 : i32
        %add3A_73 = arith.constant 0 : i32
        %add3A_74 = arith.addi %add3A_73, %mul3A_72 : i32
        %add3A_75 = arith.constant 1 : i32
        %add3A_76 = arith.addi %add3A_74, %add3A_75 : i32
        %dma_start3A_77 = arith.constant 0 : i32
        %dma_start3A_78 = tpu.memref_slice %arg6[%add3A_76, %dma_start3A_77] : memref<40x128xi32, #tpu.memory_space<vmem>> -> memref<1x128xi32, #tpu.memory_space<vmem>>
        %dma_start3A_79 = tpu.memref_squeeze %dma_start3A_78 : memref<1x128xi32, #tpu.memory_space<vmem>> -> memref<128xi32, #tpu.memory_space<vmem>>
        %dma_start3A_80 = arith.constant 0 : i32
        %dma_start3A_81 = arith.constant 0 : i32
        %dma_start3A_82 = tpu.memref_slice %arg2[%dma_start3A_80, %dma_start3A_81] : memref<10000x128xf32, #tpu.memory_space<hbm>> -> memref<10000x128xf32, #tpu.memory_space<hbm>>
        tpu.enqueue_indirect_dma source(%dma_start3A_82 : memref<10000x128xf32, #tpu.memory_space<hbm>>) target(%arg9 : memref<128x128xf32, #tpu.memory_space<vmem>>) offsets(%dma_start3A_79 : memref<128xi32, #tpu.memory_space<vmem>>) semaphore(%arg14 : memref<!tpu.dma_semaphore, #tpu.memory_space<semaphore_mem>>)
        %dma_wait3A_83 = arith.constant 0 : i32
        %dma_wait3A_84 = tpu.memref_slice %arg6[%add3A_74, %dma_wait3A_83] : memref<40x128xi32, #tpu.memory_space<vmem>> -> memref<1x128xi32, #tpu.memory_space<vmem>>
        %dma_wait3A_85 = tpu.memref_squeeze %dma_wait3A_84 : memref<1x128xi32, #tpu.memory_space<vmem>> -> memref<128xi32, #tpu.memory_space<vmem>>
        %dma_wait3A_86 = arith.constant 0 : i32
        %dma_wait3A_87 = arith.constant 0 : i32
        %dma_wait3A_88 = tpu.memref_slice %arg2[%dma_wait3A_86, %dma_wait3A_87] : memref<10000x128xf32, #tpu.memory_space<hbm>> -> memref<10000x128xf32, #tpu.memory_space<hbm>>
        tpu.wait_indirect_dma semaphore(%arg13 : memref<!tpu.dma_semaphore, #tpu.memory_space<semaphore_mem>>) src(%dma_wait3A_88 : memref<10000x128xf32, #tpu.memory_space<hbm>>) dst(%arg8 : memref<128x128xf32, #tpu.memory_space<vmem>>)
        "tpu.region"() ({
          %run_scoped3A = tpu.sem_alloc : memref<!tpu.dma_semaphore, #tpu.memory_space<semaphore_mem>>
          %dma_start3A_103 = arith.constant 0 : i32
          %dma_start3A_104 = tpu.memref_slice %arg7[%add3A_74, %dma_start3A_103] : memref<40x128xi32, #tpu.memory_space<vmem>> -> memref<1x128xi32, #tpu.memory_space<vmem>>
          %dma_start3A_105 = tpu.memref_squeeze %dma_start3A_104 : memref<1x128xi32, #tpu.memory_space<vmem>> -> memref<128xi32, #tpu.memory_space<vmem>>
          %dma_start3A_106 = arith.constant 0 : i32
          %dma_start3A_107 = arith.constant 0 : i32
          %dma_start3A_108 = tpu.memref_slice %arg11[%dma_start3A_106, %dma_start3A_107] : memref<10240x128xf32, #tpu.memory_space<vmem_shared>> -> memref<10240x128xf32, #tpu.memory_space<vmem_shared>>
          tpu.enqueue_indirect_dma source(%arg8 : memref<128x128xf32, #tpu.memory_space<vmem>>) target(%dma_start3A_108 : memref<10240x128xf32, #tpu.memory_space<vmem_shared>>) offsets(%dma_start3A_105 : memref<128xi32, #tpu.memory_space<vmem>>) semaphore(%run_scoped3A : memref<!tpu.dma_semaphore, #tpu.memory_space<semaphore_mem>>) {add = true}
          %dma_wait3A_109 = arith.constant 0 : i32
          %dma_wait3A_110 = tpu.memref_slice %arg7[%add3A_74, %dma_wait3A_109] : memref<40x128xi32, #tpu.memory_space<vmem>> -> memref<1x128xi32, #tpu.memory_space<vmem>>
          %dma_wait3A_111 = tpu.memref_squeeze %dma_wait3A_110 : memref<1x128xi32, #tpu.memory_space<vmem>> -> memref<128xi32, #tpu.memory_space<vmem>>
          %dma_wait3A_112 = arith.constant 0 : i32
          %dma_wait3A_113 = arith.constant 0 : i32
          %dma_wait3A_114 = tpu.memref_slice %arg11[%dma_wait3A_112, %dma_wait3A_113] : memref<10240x128xf32, #tpu.memory_space<vmem_shared>> -> memref<10240x128xf32, #tpu.memory_space<vmem_shared>>
          tpu.wait_indirect_dma semaphore(%run_scoped3A : memref<!tpu.dma_semaphore, #tpu.memory_space<semaphore_mem>>) src(%arg8 : memref<128x128xf32, #tpu.memory_space<vmem>>) dst(%dma_wait3A_114 : memref<10240x128xf32, #tpu.memory_space<vmem_shared>>)
          tpu.yield
        }) : () -> ()
        %add3A_89 = arith.constant 2 : i32
        %add3A_90 = arith.addi %add3A_74, %add3A_89 : i32
        %lt3A = arith.constant 40 : i32
        %lt3A_91 = arith.cmpi slt, %add3A_90, %lt3A : i32
        %convert_element_type3A = arith.extui %lt3A_91 : i1 to i32
        %cond3A = arith.constant 0 : i32
        %cond3A_92 = arith.cmpi ne, %convert_element_type3A, %cond3A : i32
        scf.if %cond3A_92 {
          %add3A_103 = arith.constant 2 : i32
          %add3A_104 = arith.addi %add3A_74, %add3A_103 : i32
          %dma_start3A_105 = arith.constant 0 : i32
          %dma_start3A_106 = tpu.memref_slice %arg6[%add3A_104, %dma_start3A_105] : memref<40x128xi32, #tpu.memory_space<vmem>> -> memref<1x128xi32, #tpu.memory_space<vmem>>
          %dma_start3A_107 = tpu.memref_squeeze %dma_start3A_106 : memref<1x128xi32, #tpu.memory_space<vmem>> -> memref<128xi32, #tpu.memory_space<vmem>>
          %dma_start3A_108 = arith.constant 0 : i32
          %dma_start3A_109 = arith.constant 0 : i32
          %dma_start3A_110 = tpu.memref_slice %arg2[%dma_start3A_108, %dma_start3A_109] : memref<10000x128xf32, #tpu.memory_space<hbm>> -> memref<10000x128xf32, #tpu.memory_space<hbm>>
          tpu.enqueue_indirect_dma source(%dma_start3A_110 : memref<10000x128xf32, #tpu.memory_space<hbm>>) target(%arg8 : memref<128x128xf32, #tpu.memory_space<vmem>>) offsets(%dma_start3A_107 : memref<128xi32, #tpu.memory_space<vmem>>) semaphore(%arg13 : memref<!tpu.dma_semaphore, #tpu.memory_space<semaphore_mem>>)
        } else {
        }
        %add3A_93 = arith.constant 1 : i32
        %add3A_94 = arith.addi %add3A_74, %add3A_93 : i32
        %dma_wait3A_95 = arith.constant 0 : i32
        %dma_wait3A_96 = tpu.memref_slice %arg6[%add3A_94, %dma_wait3A_95] : memref<40x128xi32, #tpu.memory_space<vmem>> -> memref<1x128xi32, #tpu.memory_space<vmem>>
        %dma_wait3A_97 = tpu.memref_squeeze %dma_wait3A_96 : memref<1x128xi32, #tpu.memory_space<vmem>> -> memref<128xi32, #tpu.memory_space<vmem>>
        %dma_wait3A_98 = arith.constant 0 : i32
        %dma_wait3A_99 = arith.constant 0 : i32
        %dma_wait3A_100 = tpu.memref_slice %arg2[%dma_wait3A_98, %dma_wait3A_99] : memref<10000x128xf32, #tpu.memory_space<hbm>> -> memref<10000x128xf32, #tpu.memory_space<hbm>>
        tpu.wait_indirect_dma semaphore(%arg14 : memref<!tpu.dma_semaphore, #tpu.memory_space<semaphore_mem>>) src(%dma_wait3A_100 : memref<10000x128xf32, #tpu.memory_space<hbm>>) dst(%arg9 : memref<128x128xf32, #tpu.memory_space<vmem>>)
        %add3A_101 = arith.constant 1 : i32
        %add3A_102 = arith.addi %add3A_74, %add3A_101 : i32
        "tpu.region"() ({
          %run_scoped3A = tpu.sem_alloc : memref<!tpu.dma_semaphore, #tpu.memory_space<semaphore_mem>>
          %dma_start3A_103 = arith.constant 0 : i32
          %dma_start3A_104 = tpu.memref_slice %arg7[%add3A_102, %dma_start3A_103] : memref<40x128xi32, #tpu.memory_space<vmem>> -> memref<1x128xi32, #tpu.memory_space<vmem>>
          %dma_start3A_105 = tpu.memref_squeeze %dma_start3A_104 : memref<1x128xi32, #tpu.memory_space<vmem>> -> memref<128xi32, #tpu.memory_space<vmem>>
          %dma_start3A_106 = arith.constant 0 : i32
          %dma_start3A_107 = arith.constant 0 : i32
          %dma_start3A_108 = tpu.memref_slice %arg11[%dma_start3A_106, %dma_start3A_107] : memref<10240x128xf32, #tpu.memory_space<vmem_shared>> -> memref<10240x128xf32, #tpu.memory_space<vmem_shared>>
          tpu.enqueue_indirect_dma source(%arg9 : memref<128x128xf32, #tpu.memory_space<vmem>>) target(%dma_start3A_108 : memref<10240x128xf32, #tpu.memory_space<vmem_shared>>) offsets(%dma_start3A_105 : memref<128xi32, #tpu.memory_space<vmem>>) semaphore(%run_scoped3A : memref<!tpu.dma_semaphore, #tpu.memory_space<semaphore_mem>>) {add = true}
          %dma_wait3A_109 = arith.constant 0 : i32
          %dma_wait3A_110 = tpu.memref_slice %arg7[%add3A_102, %dma_wait3A_109] : memref<40x128xi32, #tpu.memory_space<vmem>> -> memref<1x128xi32, #tpu.memory_space<vmem>>
          %dma_wait3A_111 = tpu.memref_squeeze %dma_wait3A_110 : memref<1x128xi32, #tpu.memory_space<vmem>> -> memref<128xi32, #tpu.memory_space<vmem>>
          %dma_wait3A_112 = arith.constant 0 : i32
          %dma_wait3A_113 = arith.constant 0 : i32
          %dma_wait3A_114 = tpu.memref_slice %arg11[%dma_wait3A_112, %dma_wait3A_113] : memref<10240x128xf32, #tpu.memory_space<vmem_shared>> -> memref<10240x128xf32, #tpu.memory_space<vmem_shared>>
          tpu.wait_indirect_dma semaphore(%run_scoped3A : memref<!tpu.dma_semaphore, #tpu.memory_space<semaphore_mem>>) src(%arg9 : memref<128x128xf32, #tpu.memory_space<vmem>>) dst(%dma_wait3A_114 : memref<10240x128xf32, #tpu.memory_space<vmem_shared>>)
          tpu.yield
        }) : () -> ()
      }
      %scan3A_69 = arith.constant 20 : i32
    }
    %barrier3A_33 = arith.constant 0 : index
    tpu.barrier barrier_id(%barrier3A_33)
    %mul3A_34 = arith.constant 640 : i32
    %mul3A_35 = arith.muli %arg1, %mul3A_34 : i32
    %mul3A_36 = arith.constant 640 : i32
    %mul3A_37 = arith.muli %arg1, %mul3A_36 : i32
    "tpu.region"() ({
      %run_scoped3A = tpu.sem_alloc : memref<!tpu.dma_semaphore, #tpu.memory_space<semaphore_mem>>
      %dma_start3A = arith.constant 0 : i32
      %dma_start3A_38 = arith.constant 0 : i32
      %dma_start3A_39 = tpu.memref_slice %arg5[%arg0, %dma_start3A, %dma_start3A_38] : memref<2x10240x128xf32, #tpu.memory_space<hbm>> -> memref<1x10240x128xf32, #tpu.memory_space<hbm>>
      %dma_start3A_40 = tpu.memref_squeeze %dma_start3A_39 : memref<1x10240x128xf32, #tpu.memory_space<hbm>> -> memref<10240x128xf32, #tpu.memory_space<hbm>>
      %dma_start3A_41 = arith.constant 0 : i32
      %dma_start3A_42 = tpu.memref_slice %dma_start3A_40[%mul3A_37, %dma_start3A_41] : memref<10240x128xf32, #tpu.memory_space<hbm>> -> memref<640x128xf32, #tpu.memory_space<hbm>>
      %dma_start3A_43 = arith.constant 0 : i32
      %dma_start3A_44 = tpu.memref_slice %arg11[%mul3A_35, %dma_start3A_43] : memref<10240x128xf32, #tpu.memory_space<vmem_shared>> -> memref<640x128xf32, #tpu.memory_space<vmem_shared>>
      tpu.enqueue_dma source(%dma_start3A_44 : memref<640x128xf32, #tpu.memory_space<vmem_shared>>) target(%dma_start3A_42 : memref<640x128xf32, #tpu.memory_space<hbm>>) target_semaphore(%run_scoped3A : memref<!tpu.dma_semaphore, #tpu.memory_space<semaphore_mem>>)
      %dma_wait3A = arith.constant 0 : i32
      %dma_wait3A_45 = arith.constant 0 : i32
      %dma_wait3A_46 = tpu.memref_slice %arg5[%arg0, %dma_wait3A, %dma_wait3A_45] : memref<2x10240x128xf32, #tpu.memory_space<hbm>> -> memref<1x10240x128xf32, #tpu.memory_space<hbm>>
      %dma_wait3A_47 = tpu.memref_squeeze %dma_wait3A_46 : memref<1x10240x128xf32, #tpu.memory_space<hbm>> -> memref<10240x128xf32, #tpu.memory_space<hbm>>
      %dma_wait3A_48 = arith.constant 0 : i32
      %dma_wait3A_49 = tpu.memref_slice %dma_wait3A_47[%mul3A_37, %dma_wait3A_48] : memref<10240x128xf32, #tpu.memory_space<hbm>> -> memref<640x128xf32, #tpu.memory_space<hbm>>
      %dma_wait3A_50 = arith.constant 0 : i32
      %dma_wait3A_51 = tpu.memref_slice %arg11[%mul3A_35, %dma_wait3A_50] : memref<10240x128xf32, #tpu.memory_space<vmem_shared>> -> memref<640x128xf32, #tpu.memory_space<vmem_shared>>
      tpu.wait_dma2 semaphore(%run_scoped3A : memref<!tpu.dma_semaphore, #tpu.memory_space<semaphore_mem>>) src(%dma_wait3A_51 : memref<640x128xf32, #tpu.memory_space<vmem_shared>>) dst(%dma_wait3A_49 : memref<640x128xf32, #tpu.memory_space<hbm>>)
      tpu.yield
    }) : () -> ()
    return
  }
}

#map = affine_map<(d0, d1) -> (0, 0)>
#map1 = affine_map<(d0, d1) -> (0, 0, 0)>
module attributes {stable_mosaic.version = 14 : i64} {
  func.func @_sc_aggregate(%arg0: i32, %arg1: i32, %arg2: memref<10000x128xf32, #tpu.memory_space<hbm>>, %arg3: memref<2560x128xi32, #tpu.memory_space<hbm>>, %arg4: memref<2560x128xi32, #tpu.memory_space<hbm>>, %arg5: memref<2x10240x128xf32, #tpu.memory_space<hbm>>, %arg6: memref<40x128xi32, #tpu.memory_space<vmem>>, %arg7: memref<40x128xi32, #tpu.memory_space<vmem>>, %arg8: memref<128x128xf32, #tpu.memory_space<vmem>>, %arg9: memref<128x128xf32, #tpu.memory_space<vmem>>, %arg10: memref<16x128xf32, #tpu.memory_space<vmem>>, %arg11: memref<10240x128xf32, #tpu.memory_space<vmem_shared>>, %arg12: memref<!tpu.dma_semaphore, #tpu.memory_space<semaphore_mem>>, %arg13: memref<!tpu.dma_semaphore, #tpu.memory_space<semaphore_mem>>, %arg14: memref<!tpu.dma_semaphore, #tpu.memory_space<semaphore_mem>>) attributes {dimension_semantics = [#tpu.dimension_semantics<core_parallel>, #tpu.dimension_semantics<subcore_parallel>], iteration_bounds = array<i64: 2, 16>, scalar_prefetch = 0 : i64, scratch_operands = 9 : i64, tpu.core_type = #tpu.core_type<sc_vector_subcore>, window_params = [{transform_indices = #map}, {transform_indices = #map}, {transform_indices = #map}, {transform_indices = #map1}]} {
    %eq3A = arith.constant 0 : i32
    %eq3A_0 = arith.cmpi eq, %arg0, %eq3A : i32
    %jit3A = arith.constant 80 : i32
    %jit3A_1 = arith.constant 80 : i32
    %select_n3A = arith.select %eq3A_0, %jit3A, %jit3A_1 : i32
    %jit3A_2 = arith.constant 0 : i32
    %jit3A_3 = arith.constant 1280 : i32
    %select_n3A_4 = arith.select %eq3A_0, %jit3A_2, %jit3A_3 : i32
    %jit3A_5 = arith.constant 2 : i32
    %jit3A_6 = arith.constant 2 : i32
    %select_n3A_7 = arith.select %eq3A_0, %jit3A_5, %jit3A_6 : i32
    %mul3A = arith.muli %arg1, %select_n3A : i32
    %add3A = arith.addi %select_n3A_4, %mul3A : i32
    %scan3A = arith.constant 0 : i32
    %scan3A_8 = arith.constant 16 : i32
    %scan3A_9 = arith.addi %scan3A, %scan3A_8 : i32
    %scan3A_10 = arith.constant 1 : i32
    scf.for %scan3A_38 = %scan3A to %scan3A_9 step %scan3A_10  : i32 {
      %mul3A_39 = arith.constant 1 : i32
      %mul3A_40 = arith.muli %scan3A_38, %mul3A_39 : i32
      %add3A_41 = arith.constant 0 : i32
      %add3A_42 = arith.addi %add3A_41, %mul3A_40 : i32
      %scan3A_43 = arith.constant 0 : i32
      %scan3A_44 = arith.constant 8 : i32
      %scan3A_45 = arith.addi %scan3A_43, %scan3A_44 : i32
      %scan3A_46 = arith.constant 1 : i32
      scf.for %scan3A_48 = %scan3A_43 to %scan3A_45 step %scan3A_46  : i32 {
        %mul3A_49 = arith.constant 16 : i32
        %mul3A_50 = arith.muli %scan3A_48, %mul3A_49 : i32
        %add3A_51 = arith.constant 0 : i32
        %add3A_52 = arith.addi %add3A_51, %mul3A_50 : i32
        %broadcast_in_dim3A = arith.constant 0.000000e+00 : f32
        %broadcast_in_dim3A_53 = vector.broadcast %broadcast_in_dim3A : f32 to vector<16xf32>
        %swap3A = arith.index_cast %add3A_42 : i32 to index
        %swap3A_54 = arith.index_cast %add3A_52 : i32 to index
        %swap3A_55 = tpu.vector_load %arg10[%swap3A, %swap3A_54] {strides = array<i32>} : memref<16x128xf32, #tpu.memory_space<vmem>>, vector<1x16xf32>,
        %swap3A_56 = vector.shape_cast %swap3A_55 : vector<1x16xf32> to vector<16xf32>
        %swap3A_57 = vector.shape_cast %broadcast_in_dim3A_53 : vector<16xf32> to vector<1x16xf32>
        tpu.vector_store %arg10[%swap3A, %swap3A_54], %swap3A_57 {strides = array<i32>} : memref<16x128xf32, #tpu.memory_space<vmem>>, vector<1x16xf32>,
      }
      %scan3A_47 = arith.constant 8 : i32
    }
    %scan3A_11 = arith.constant 16 : i32
    %scan3A_12 = arith.constant 0 : i32
    %scan3A_13 = arith.constant 40 : i32
    %scan3A_14 = arith.addi %scan3A_12, %scan3A_13 : i32
    %scan3A_15 = arith.constant 1 : i32
    scf.for %scan3A_38 = %scan3A_12 to %scan3A_14 step %scan3A_15  : i32 {
      %mul3A_39 = arith.constant 16 : i32
      %mul3A_40 = arith.muli %scan3A_38, %mul3A_39 : i32
      %add3A_41 = arith.constant 0 : i32
      %add3A_42 = arith.addi %add3A_41, %mul3A_40 : i32
      %mul3A_43 = arith.constant 640 : i32
      %mul3A_44 = arith.muli %arg1, %mul3A_43 : i32
      %add3A_45 = arith.addi %mul3A_44, %add3A_42 : i32
      "tpu.region"() ({
        %run_scoped3A = tpu.sem_alloc : memref<!tpu.dma_semaphore, #tpu.memory_space<semaphore_mem>>
        %dma_start3A = arith.constant 0 : i32
        %dma_start3A_46 = tpu.memref_slice %arg11[%add3A_45, %dma_start3A] : memref<10240x128xf32, #tpu.memory_space<vmem_shared>> -> memref<16x128xf32, #tpu.memory_space<vmem_shared>>
        %dma_start3A_47 = arith.constant 0 : i32
        %dma_start3A_48 = tpu.memref_slice %arg11[%add3A_45, %dma_start3A_47] : memref<10240x128xf32, #tpu.memory_space<vmem_shared>> -> memref<16x128xf32, #tpu.memory_space<vmem_shared>>
        tpu.enqueue_dma source(%arg10 : memref<16x128xf32, #tpu.memory_space<vmem>>) target(%dma_start3A_48 : memref<16x128xf32, #tpu.memory_space<vmem_shared>>) target_semaphore(%run_scoped3A : memref<!tpu.dma_semaphore, #tpu.memory_space<semaphore_mem>>)
        %dma_wait3A = arith.constant 0 : i32
        %dma_wait3A_49 = tpu.memref_slice %arg11[%add3A_45, %dma_wait3A] : memref<10240x128xf32, #tpu.memory_space<vmem_shared>> -> memref<16x128xf32, #tpu.memory_space<vmem_shared>>
        %dma_wait3A_50 = arith.constant 0 : i32
        %dma_wait3A_51 = tpu.memref_slice %arg11[%add3A_45, %dma_wait3A_50] : memref<10240x128xf32, #tpu.memory_space<vmem_shared>> -> memref<16x128xf32, #tpu.memory_space<vmem_shared>>
        tpu.wait_dma2 semaphore(%run_scoped3A : memref<!tpu.dma_semaphore, #tpu.memory_space<semaphore_mem>>) src(%arg10 : memref<16x128xf32, #tpu.memory_space<vmem>>) dst(%dma_wait3A_51 : memref<16x128xf32, #tpu.memory_space<vmem_shared>>)
        tpu.yield
      }) : () -> ()
    }
    %scan3A_16 = arith.constant 40 : i32
    %barrier3A = arith.constant 0 : index
    tpu.barrier barrier_id(%barrier3A)
    %sub3A = arith.constant 0 : i32
    %sub3A_17 = arith.subi %select_n3A_7, %sub3A : i32
    %sub3A_18 = arith.constant 1 : i32
    %sub3A_19 = arith.constant 1 : i32
    %sub3A_20 = arith.subi %sub3A_18, %sub3A_19 : i32
    %add3A_21 = arith.addi %sub3A_17, %sub3A_20 : i32
    %div3A = arith.constant 1 : i32
    %div3A_22 = arith.divsi %add3A_21, %div3A : i32
    %while3A = arith.constant 1 : i32
    %while3A_23 = arith.constant 0 : i32
    %while3A_24 = arith.constant 0 : i32
    %while3A_25 = arith.subi %div3A_22, %while3A_24 : i32
    %while3A_26 = arith.addi %while3A_24, %while3A_25 : i32
    %while3A_27 = arith.constant 1 : i32
    %while3A_28 = arith.divsi %while3A_25, %while3A_27 : i32
    %while3A_29 = arith.muli %while3A_28, %while3A_27 : i32
    %while3A_30 = arith.addi %while3A_24, %while3A_29 : i32
    %while3A_31 = arith.constant 1 : i32
    scf.for %while3A_38 = %while3A_24 to %while3A_30 step %while3A_31  : i32 {
      %mul3A_39 = arith.muli %while3A_38, %while3A : i32
      %add3A_40 = arith.addi %while3A_23, %mul3A_39 : i32
      %mul3A_41 = arith.constant 40 : i32
      %mul3A_42 = arith.muli %add3A_40, %mul3A_41 : i32
      %add3A_43 = arith.addi %add3A, %mul3A_42 : i32
      %dma_start3A = arith.constant 0 : i32
      %dma_start3A_44 = tpu.memref_slice %arg3[%add3A_43, %dma_start3A] : memref<2560x128xi32, #tpu.memory_space<hbm>> -> memref<40x128xi32, #tpu.memory_space<hbm>>
      %dma_start3A_45 = arith.constant 0 : i32
      %dma_start3A_46 = tpu.memref_slice %arg3[%add3A_43, %dma_start3A_45] : memref<2560x128xi32, #tpu.memory_space<hbm>> -> memref<40x128xi32, #tpu.memory_space<hbm>>
      tpu.enqueue_dma source(%dma_start3A_46 : memref<40x128xi32, #tpu.memory_space<hbm>>) target(%arg6 : memref<40x128xi32, #tpu.memory_space<vmem>>) target_semaphore(%arg12 : memref<!tpu.dma_semaphore, #tpu.memory_space<semaphore_mem>>)
      %dma_wait3A = arith.constant 0 : i32
      %dma_wait3A_47 = tpu.memref_slice %arg3[%add3A_43, %dma_wait3A] : memref<2560x128xi32, #tpu.memory_space<hbm>> -> memref<40x128xi32, #tpu.memory_space<hbm>>
      %dma_wait3A_48 = arith.constant 0 : i32
      %dma_wait3A_49 = tpu.memref_slice %arg3[%add3A_43, %dma_wait3A_48] : memref<2560x128xi32, #tpu.memory_space<hbm>> -> memref<40x128xi32, #tpu.memory_space<hbm>>
      tpu.wait_dma2 semaphore(%arg12 : memref<!tpu.dma_semaphore, #tpu.memory_space<semaphore_mem>>) src(%dma_wait3A_49 : memref<40x128xi32, #tpu.memory_space<hbm>>) dst(%arg6 : memref<40x128xi32, #tpu.memory_space<vmem>>)
      %dma_start3A_50 = arith.constant 0 : i32
      %dma_start3A_51 = tpu.memref_slice %arg4[%add3A_43, %dma_start3A_50] : memref<2560x128xi32, #tpu.memory_space<hbm>> -> memref<40x128xi32, #tpu.memory_space<hbm>>
      %dma_start3A_52 = arith.constant 0 : i32
      %dma_start3A_53 = tpu.memref_slice %arg4[%add3A_43, %dma_start3A_52] : memref<2560x128xi32, #tpu.memory_space<hbm>> -> memref<40x128xi32, #tpu.memory_space<hbm>>
      tpu.enqueue_dma source(%dma_start3A_53 : memref<40x128xi32, #tpu.memory_space<hbm>>) target(%arg7 : memref<40x128xi32, #tpu.memory_space<vmem>>) target_semaphore(%arg12 : memref<!tpu.dma_semaphore, #tpu.memory_space<semaphore_mem>>)
      %dma_wait3A_54 = arith.constant 0 : i32
      %dma_wait3A_55 = tpu.memref_slice %arg4[%add3A_43, %dma_wait3A_54] : memref<2560x128xi32, #tpu.memory_space<hbm>> -> memref<40x128xi32, #tpu.memory_space<hbm>>
      %dma_wait3A_56 = arith.constant 0 : i32
      %dma_wait3A_57 = tpu.memref_slice %arg4[%add3A_43, %dma_wait3A_56] : memref<2560x128xi32, #tpu.memory_space<hbm>> -> memref<40x128xi32, #tpu.memory_space<hbm>>
      tpu.wait_dma2 semaphore(%arg12 : memref<!tpu.dma_semaphore, #tpu.memory_space<semaphore_mem>>) src(%dma_wait3A_57 : memref<40x128xi32, #tpu.memory_space<hbm>>) dst(%arg7 : memref<40x128xi32, #tpu.memory_space<vmem>>)
      %dma_start3A_58 = arith.constant 0 : i32
      %dma_start3A_59 = arith.constant 0 : i32
      %dma_start3A_60 = tpu.memref_slice %arg6[%dma_start3A_58, %dma_start3A_59] : memref<40x128xi32, #tpu.memory_space<vmem>> -> memref<1x128xi32, #tpu.memory_space<vmem>>
      %dma_start3A_61 = tpu.memref_squeeze %dma_start3A_60 : memref<1x128xi32, #tpu.memory_space<vmem>> -> memref<128xi32, #tpu.memory_space<vmem>>
      %dma_start3A_62 = arith.constant 0 : i32
      %dma_start3A_63 = arith.constant 0 : i32
      %dma_start3A_64 = tpu.memref_slice %arg2[%dma_start3A_62, %dma_start3A_63] : memref<10000x128xf32, #tpu.memory_space<hbm>> -> memref<10000x128xf32, #tpu.memory_space<hbm>>
      tpu.enqueue_indirect_dma source(%dma_start3A_64 : memref<10000x128xf32, #tpu.memory_space<hbm>>) target(%arg8 : memref<128x128xf32, #tpu.memory_space<vmem>>) offsets(%dma_start3A_61 : memref<128xi32, #tpu.memory_space<vmem>>) semaphore(%arg13 : memref<!tpu.dma_semaphore, #tpu.memory_space<semaphore_mem>>)
      %scan3A_65 = arith.constant 0 : i32
      %scan3A_66 = arith.constant 20 : i32
      %scan3A_67 = arith.addi %scan3A_65, %scan3A_66 : i32
      %scan3A_68 = arith.constant 1 : i32
      scf.for %scan3A_70 = %scan3A_65 to %scan3A_67 step %scan3A_68  : i32 {
        %mul3A_71 = arith.constant 2 : i32
        %mul3A_72 = arith.muli %scan3A_70, %mul3A_71 : i32
        %add3A_73 = arith.constant 0 : i32
        %add3A_74 = arith.addi %add3A_73, %mul3A_72 : i32
        %add3A_75 = arith.constant 1 : i32
        %add3A_76 = arith.addi %add3A_74, %add3A_75 : i32
        %dma_start3A_77 = arith.constant 0 : i32
        %dma_start3A_78 = tpu.memref_slice %arg6[%add3A_76, %dma_start3A_77] : memref<40x128xi32, #tpu.memory_space<vmem>> -> memref<1x128xi32, #tpu.memory_space<vmem>>
        %dma_start3A_79 = tpu.memref_squeeze %dma_start3A_78 : memref<1x128xi32, #tpu.memory_space<vmem>> -> memref<128xi32, #tpu.memory_space<vmem>>
        %dma_start3A_80 = arith.constant 0 : i32
        %dma_start3A_81 = arith.constant 0 : i32
        %dma_start3A_82 = tpu.memref_slice %arg2[%dma_start3A_80, %dma_start3A_81] : memref<10000x128xf32, #tpu.memory_space<hbm>> -> memref<10000x128xf32, #tpu.memory_space<hbm>>
        tpu.enqueue_indirect_dma source(%dma_start3A_82 : memref<10000x128xf32, #tpu.memory_space<hbm>>) target(%arg9 : memref<128x128xf32, #tpu.memory_space<vmem>>) offsets(%dma_start3A_79 : memref<128xi32, #tpu.memory_space<vmem>>) semaphore(%arg14 : memref<!tpu.dma_semaphore, #tpu.memory_space<semaphore_mem>>)
        %dma_wait3A_83 = arith.constant 0 : i32
        %dma_wait3A_84 = tpu.memref_slice %arg6[%add3A_74, %dma_wait3A_83] : memref<40x128xi32, #tpu.memory_space<vmem>> -> memref<1x128xi32, #tpu.memory_space<vmem>>
        %dma_wait3A_85 = tpu.memref_squeeze %dma_wait3A_84 : memref<1x128xi32, #tpu.memory_space<vmem>> -> memref<128xi32, #tpu.memory_space<vmem>>
        %dma_wait3A_86 = arith.constant 0 : i32
        %dma_wait3A_87 = arith.constant 0 : i32
        %dma_wait3A_88 = tpu.memref_slice %arg2[%dma_wait3A_86, %dma_wait3A_87] : memref<10000x128xf32, #tpu.memory_space<hbm>> -> memref<10000x128xf32, #tpu.memory_space<hbm>>
        tpu.wait_indirect_dma semaphore(%arg13 : memref<!tpu.dma_semaphore, #tpu.memory_space<semaphore_mem>>) src(%dma_wait3A_88 : memref<10000x128xf32, #tpu.memory_space<hbm>>) dst(%arg8 : memref<128x128xf32, #tpu.memory_space<vmem>>)
        "tpu.region"() ({
          %run_scoped3A = tpu.sem_alloc : memref<!tpu.dma_semaphore, #tpu.memory_space<semaphore_mem>>
          %dma_start3A_103 = arith.constant 0 : i32
          %dma_start3A_104 = tpu.memref_slice %arg7[%add3A_74, %dma_start3A_103] : memref<40x128xi32, #tpu.memory_space<vmem>> -> memref<1x128xi32, #tpu.memory_space<vmem>>
          %dma_start3A_105 = tpu.memref_squeeze %dma_start3A_104 : memref<1x128xi32, #tpu.memory_space<vmem>> -> memref<128xi32, #tpu.memory_space<vmem>>
          %dma_start3A_106 = arith.constant 0 : i32
          %dma_start3A_107 = arith.constant 0 : i32
          %dma_start3A_108 = tpu.memref_slice %arg11[%dma_start3A_106, %dma_start3A_107] : memref<10240x128xf32, #tpu.memory_space<vmem_shared>> -> memref<10240x128xf32, #tpu.memory_space<vmem_shared>>
          tpu.enqueue_indirect_dma source(%arg8 : memref<128x128xf32, #tpu.memory_space<vmem>>) target(%dma_start3A_108 : memref<10240x128xf32, #tpu.memory_space<vmem_shared>>) offsets(%dma_start3A_105 : memref<128xi32, #tpu.memory_space<vmem>>) semaphore(%run_scoped3A : memref<!tpu.dma_semaphore, #tpu.memory_space<semaphore_mem>>) {add = true}
          %dma_wait3A_109 = arith.constant 0 : i32
          %dma_wait3A_110 = tpu.memref_slice %arg7[%add3A_74, %dma_wait3A_109] : memref<40x128xi32, #tpu.memory_space<vmem>> -> memref<1x128xi32, #tpu.memory_space<vmem>>
          %dma_wait3A_111 = tpu.memref_squeeze %dma_wait3A_110 : memref<1x128xi32, #tpu.memory_space<vmem>> -> memref<128xi32, #tpu.memory_space<vmem>>
          %dma_wait3A_112 = arith.constant 0 : i32
          %dma_wait3A_113 = arith.constant 0 : i32
          %dma_wait3A_114 = tpu.memref_slice %arg11[%dma_wait3A_112, %dma_wait3A_113] : memref<10240x128xf32, #tpu.memory_space<vmem_shared>> -> memref<10240x128xf32, #tpu.memory_space<vmem_shared>>
          tpu.wait_indirect_dma semaphore(%run_scoped3A : memref<!tpu.dma_semaphore, #tpu.memory_space<semaphore_mem>>) src(%arg8 : memref<128x128xf32, #tpu.memory_space<vmem>>) dst(%dma_wait3A_114 : memref<10240x128xf32, #tpu.memory_space<vmem_shared>>)
          tpu.yield
        }) : () -> ()
        %add3A_89 = arith.constant 2 : i32
        %add3A_90 = arith.addi %add3A_74, %add3A_89 : i32
        %lt3A = arith.constant 40 : i32
        %lt3A_91 = arith.cmpi slt, %add3A_90, %lt3A : i32
        %convert_element_type3A = arith.extui %lt3A_91 : i1 to i32
        %cond3A = arith.constant 0 : i32
        %cond3A_92 = arith.cmpi ne, %convert_element_type3A, %cond3A : i32
        scf.if %cond3A_92 {
          %add3A_103 = arith.constant 2 : i32
          %add3A_104 = arith.addi %add3A_74, %add3A_103 : i32
          %dma_start3A_105 = arith.constant 0 : i32
          %dma_start3A_106 = tpu.memref_slice %arg6[%add3A_104, %dma_start3A_105] : memref<40x128xi32, #tpu.memory_space<vmem>> -> memref<1x128xi32, #tpu.memory_space<vmem>>
          %dma_start3A_107 = tpu.memref_squeeze %dma_start3A_106 : memref<1x128xi32, #tpu.memory_space<vmem>> -> memref<128xi32, #tpu.memory_space<vmem>>
          %dma_start3A_108 = arith.constant 0 : i32
          %dma_start3A_109 = arith.constant 0 : i32
          %dma_start3A_110 = tpu.memref_slice %arg2[%dma_start3A_108, %dma_start3A_109] : memref<10000x128xf32, #tpu.memory_space<hbm>> -> memref<10000x128xf32, #tpu.memory_space<hbm>>
          tpu.enqueue_indirect_dma source(%dma_start3A_110 : memref<10000x128xf32, #tpu.memory_space<hbm>>) target(%arg8 : memref<128x128xf32, #tpu.memory_space<vmem>>) offsets(%dma_start3A_107 : memref<128xi32, #tpu.memory_space<vmem>>) semaphore(%arg13 : memref<!tpu.dma_semaphore, #tpu.memory_space<semaphore_mem>>)
        } else {
        }
        %add3A_93 = arith.constant 1 : i32
        %add3A_94 = arith.addi %add3A_74, %add3A_93 : i32
        %dma_wait3A_95 = arith.constant 0 : i32
        %dma_wait3A_96 = tpu.memref_slice %arg6[%add3A_94, %dma_wait3A_95] : memref<40x128xi32, #tpu.memory_space<vmem>> -> memref<1x128xi32, #tpu.memory_space<vmem>>
        %dma_wait3A_97 = tpu.memref_squeeze %dma_wait3A_96 : memref<1x128xi32, #tpu.memory_space<vmem>> -> memref<128xi32, #tpu.memory_space<vmem>>
        %dma_wait3A_98 = arith.constant 0 : i32
        %dma_wait3A_99 = arith.constant 0 : i32
        %dma_wait3A_100 = tpu.memref_slice %arg2[%dma_wait3A_98, %dma_wait3A_99] : memref<10000x128xf32, #tpu.memory_space<hbm>> -> memref<10000x128xf32, #tpu.memory_space<hbm>>
        tpu.wait_indirect_dma semaphore(%arg14 : memref<!tpu.dma_semaphore, #tpu.memory_space<semaphore_mem>>) src(%dma_wait3A_100 : memref<10000x128xf32, #tpu.memory_space<hbm>>) dst(%arg9 : memref<128x128xf32, #tpu.memory_space<vmem>>)
        %add3A_101 = arith.constant 1 : i32
        %add3A_102 = arith.addi %add3A_74, %add3A_101 : i32
        "tpu.region"() ({
          %run_scoped3A = tpu.sem_alloc : memref<!tpu.dma_semaphore, #tpu.memory_space<semaphore_mem>>
          %dma_start3A_103 = arith.constant 0 : i32
          %dma_start3A_104 = tpu.memref_slice %arg7[%add3A_102, %dma_start3A_103] : memref<40x128xi32, #tpu.memory_space<vmem>> -> memref<1x128xi32, #tpu.memory_space<vmem>>
          %dma_start3A_105 = tpu.memref_squeeze %dma_start3A_104 : memref<1x128xi32, #tpu.memory_space<vmem>> -> memref<128xi32, #tpu.memory_space<vmem>>
          %dma_start3A_106 = arith.constant 0 : i32
          %dma_start3A_107 = arith.constant 0 : i32
          %dma_start3A_108 = tpu.memref_slice %arg11[%dma_start3A_106, %dma_start3A_107] : memref<10240x128xf32, #tpu.memory_space<vmem_shared>> -> memref<10240x128xf32, #tpu.memory_space<vmem_shared>>
          tpu.enqueue_indirect_dma source(%arg9 : memref<128x128xf32, #tpu.memory_space<vmem>>) target(%dma_start3A_108 : memref<10240x128xf32, #tpu.memory_space<vmem_shared>>) offsets(%dma_start3A_105 : memref<128xi32, #tpu.memory_space<vmem>>) semaphore(%run_scoped3A : memref<!tpu.dma_semaphore, #tpu.memory_space<semaphore_mem>>) {add = true}
          %dma_wait3A_109 = arith.constant 0 : i32
          %dma_wait3A_110 = tpu.memref_slice %arg7[%add3A_102, %dma_wait3A_109] : memref<40x128xi32, #tpu.memory_space<vmem>> -> memref<1x128xi32, #tpu.memory_space<vmem>>
          %dma_wait3A_111 = tpu.memref_squeeze %dma_wait3A_110 : memref<1x128xi32, #tpu.memory_space<vmem>> -> memref<128xi32, #tpu.memory_space<vmem>>
          %dma_wait3A_112 = arith.constant 0 : i32
          %dma_wait3A_113 = arith.constant 0 : i32
          %dma_wait3A_114 = tpu.memref_slice %arg11[%dma_wait3A_112, %dma_wait3A_113] : memref<10240x128xf32, #tpu.memory_space<vmem_shared>> -> memref<10240x128xf32, #tpu.memory_space<vmem_shared>>
          tpu.wait_indirect_dma semaphore(%run_scoped3A : memref<!tpu.dma_semaphore, #tpu.memory_space<semaphore_mem>>) src(%arg9 : memref<128x128xf32, #tpu.memory_space<vmem>>) dst(%dma_wait3A_114 : memref<10240x128xf32, #tpu.memory_space<vmem_shared>>)
          tpu.yield
        }) : () -> ()
      }
      %scan3A_69 = arith.constant 20 : i32
    }
    %while3A_32 = arith.constant 1 : i32
    scf.for %while3A_38 = %while3A_30 to %while3A_26 step %while3A_32  : i32 {
      %mul3A_39 = arith.muli %while3A_38, %while3A : i32
      %add3A_40 = arith.addi %while3A_23, %mul3A_39 : i32
      %mul3A_41 = arith.constant 40 : i32
      %mul3A_42 = arith.muli %add3A_40, %mul3A_41 : i32
      %add3A_43 = arith.addi %add3A, %mul3A_42 : i32
      %dma_start3A = arith.constant 0 : i32
      %dma_start3A_44 = tpu.memref_slice %arg3[%add3A_43, %dma_start3A] : memref<2560x128xi32, #tpu.memory_space<hbm>> -> memref<40x128xi32, #tpu.memory_space<hbm>>
      %dma_start3A_45 = arith.constant 0 : i32
      %dma_start3A_46 = tpu.memref_slice %arg3[%add3A_43, %dma_start3A_45] : memref<2560x128xi32, #tpu.memory_space<hbm>> -> memref<40x128xi32, #tpu.memory_space<hbm>>
      tpu.enqueue_dma source(%dma_start3A_46 : memref<40x128xi32, #tpu.memory_space<hbm>>) target(%arg6 : memref<40x128xi32, #tpu.memory_space<vmem>>) target_semaphore(%arg12 : memref<!tpu.dma_semaphore, #tpu.memory_space<semaphore_mem>>)
      %dma_wait3A = arith.constant 0 : i32
      %dma_wait3A_47 = tpu.memref_slice %arg3[%add3A_43, %dma_wait3A] : memref<2560x128xi32, #tpu.memory_space<hbm>> -> memref<40x128xi32, #tpu.memory_space<hbm>>
      %dma_wait3A_48 = arith.constant 0 : i32
      %dma_wait3A_49 = tpu.memref_slice %arg3[%add3A_43, %dma_wait3A_48] : memref<2560x128xi32, #tpu.memory_space<hbm>> -> memref<40x128xi32, #tpu.memory_space<hbm>>
      tpu.wait_dma2 semaphore(%arg12 : memref<!tpu.dma_semaphore, #tpu.memory_space<semaphore_mem>>) src(%dma_wait3A_49 : memref<40x128xi32, #tpu.memory_space<hbm>>) dst(%arg6 : memref<40x128xi32, #tpu.memory_space<vmem>>)
      %dma_start3A_50 = arith.constant 0 : i32
      %dma_start3A_51 = tpu.memref_slice %arg4[%add3A_43, %dma_start3A_50] : memref<2560x128xi32, #tpu.memory_space<hbm>> -> memref<40x128xi32, #tpu.memory_space<hbm>>
      %dma_start3A_52 = arith.constant 0 : i32
      %dma_start3A_53 = tpu.memref_slice %arg4[%add3A_43, %dma_start3A_52] : memref<2560x128xi32, #tpu.memory_space<hbm>> -> memref<40x128xi32, #tpu.memory_space<hbm>>
      tpu.enqueue_dma source(%dma_start3A_53 : memref<40x128xi32, #tpu.memory_space<hbm>>) target(%arg7 : memref<40x128xi32, #tpu.memory_space<vmem>>) target_semaphore(%arg12 : memref<!tpu.dma_semaphore, #tpu.memory_space<semaphore_mem>>)
      %dma_wait3A_54 = arith.constant 0 : i32
      %dma_wait3A_55 = tpu.memref_slice %arg4[%add3A_43, %dma_wait3A_54] : memref<2560x128xi32, #tpu.memory_space<hbm>> -> memref<40x128xi32, #tpu.memory_space<hbm>>
      %dma_wait3A_56 = arith.constant 0 : i32
      %dma_wait3A_57 = tpu.memref_slice %arg4[%add3A_43, %dma_wait3A_56] : memref<2560x128xi32, #tpu.memory_space<hbm>> -> memref<40x128xi32, #tpu.memory_space<hbm>>
      tpu.wait_dma2 semaphore(%arg12 : memref<!tpu.dma_semaphore, #tpu.memory_space<semaphore_mem>>) src(%dma_wait3A_57 : memref<40x128xi32, #tpu.memory_space<hbm>>) dst(%arg7 : memref<40x128xi32, #tpu.memory_space<vmem>>)
      %dma_start3A_58 = arith.constant 0 : i32
      %dma_start3A_59 = arith.constant 0 : i32
      %dma_start3A_60 = tpu.memref_slice %arg6[%dma_start3A_58, %dma_start3A_59] : memref<40x128xi32, #tpu.memory_space<vmem>> -> memref<1x128xi32, #tpu.memory_space<vmem>>
      %dma_start3A_61 = tpu.memref_squeeze %dma_start3A_60 : memref<1x128xi32, #tpu.memory_space<vmem>> -> memref<128xi32, #tpu.memory_space<vmem>>
      %dma_start3A_62 = arith.constant 0 : i32
      %dma_start3A_63 = arith.constant 0 : i32
      %dma_start3A_64 = tpu.memref_slice %arg2[%dma_start3A_62, %dma_start3A_63] : memref<10000x128xf32, #tpu.memory_space<hbm>> -> memref<10000x128xf32, #tpu.memory_space<hbm>>
      tpu.enqueue_indirect_dma source(%dma_start3A_64 : memref<10000x128xf32, #tpu.memory_space<hbm>>) target(%arg8 : memref<128x128xf32, #tpu.memory_space<vmem>>) offsets(%dma_start3A_61 : memref<128xi32, #tpu.memory_space<vmem>>) semaphore(%arg13 : memref<!tpu.dma_semaphore, #tpu.memory_space<semaphore_mem>>)
      %scan3A_65 = arith.constant 0 : i32
      %scan3A_66 = arith.constant 20 : i32
      %scan3A_67 = arith.addi %scan3A_65, %scan3A_66 : i32
      %scan3A_68 = arith.constant 1 : i32
      scf.for %scan3A_70 = %scan3A_65 to %scan3A_67 step %scan3A_68  : i32 {
        %mul3A_71 = arith.constant 2 : i32
        %mul3A_72 = arith.muli %scan3A_70, %mul3A_71 : i32
        %add3A_73 = arith.constant 0 : i32
        %add3A_74 = arith.addi %add3A_73, %mul3A_72 : i32
        %add3A_75 = arith.constant 1 : i32
        %add3A_76 = arith.addi %add3A_74, %add3A_75 : i32
        %dma_start3A_77 = arith.constant 0 : i32
        %dma_start3A_78 = tpu.memref_slice %arg6[%add3A_76, %dma_start3A_77] : memref<40x128xi32, #tpu.memory_space<vmem>> -> memref<1x128xi32, #tpu.memory_space<vmem>>
        %dma_start3A_79 = tpu.memref_squeeze %dma_start3A_78 : memref<1x128xi32, #tpu.memory_space<vmem>> -> memref<128xi32, #tpu.memory_space<vmem>>
        %dma_start3A_80 = arith.constant 0 : i32
        %dma_start3A_81 = arith.constant 0 : i32
        %dma_start3A_82 = tpu.memref_slice %arg2[%dma_start3A_80, %dma_start3A_81] : memref<10000x128xf32, #tpu.memory_space<hbm>> -> memref<10000x128xf32, #tpu.memory_space<hbm>>
        tpu.enqueue_indirect_dma source(%dma_start3A_82 : memref<10000x128xf32, #tpu.memory_space<hbm>>) target(%arg9 : memref<128x128xf32, #tpu.memory_space<vmem>>) offsets(%dma_start3A_79 : memref<128xi32, #tpu.memory_space<vmem>>) semaphore(%arg14 : memref<!tpu.dma_semaphore, #tpu.memory_space<semaphore_mem>>)
        %dma_wait3A_83 = arith.constant 0 : i32
        %dma_wait3A_84 = tpu.memref_slice %arg6[%add3A_74, %dma_wait3A_83] : memref<40x128xi32, #tpu.memory_space<vmem>> -> memref<1x128xi32, #tpu.memory_space<vmem>>
        %dma_wait3A_85 = tpu.memref_squeeze %dma_wait3A_84 : memref<1x128xi32, #tpu.memory_space<vmem>> -> memref<128xi32, #tpu.memory_space<vmem>>
        %dma_wait3A_86 = arith.constant 0 : i32
        %dma_wait3A_87 = arith.constant 0 : i32
        %dma_wait3A_88 = tpu.memref_slice %arg2[%dma_wait3A_86, %dma_wait3A_87] : memref<10000x128xf32, #tpu.memory_space<hbm>> -> memref<10000x128xf32, #tpu.memory_space<hbm>>
        tpu.wait_indirect_dma semaphore(%arg13 : memref<!tpu.dma_semaphore, #tpu.memory_space<semaphore_mem>>) src(%dma_wait3A_88 : memref<10000x128xf32, #tpu.memory_space<hbm>>) dst(%arg8 : memref<128x128xf32, #tpu.memory_space<vmem>>)
        "tpu.region"() ({
          %run_scoped3A = tpu.sem_alloc : memref<!tpu.dma_semaphore, #tpu.memory_space<semaphore_mem>>
          %dma_start3A_103 = arith.constant 0 : i32
          %dma_start3A_104 = tpu.memref_slice %arg7[%add3A_74, %dma_start3A_103] : memref<40x128xi32, #tpu.memory_space<vmem>> -> memref<1x128xi32, #tpu.memory_space<vmem>>
          %dma_start3A_105 = tpu.memref_squeeze %dma_start3A_104 : memref<1x128xi32, #tpu.memory_space<vmem>> -> memref<128xi32, #tpu.memory_space<vmem>>
          %dma_start3A_106 = arith.constant 0 : i32
          %dma_start3A_107 = arith.constant 0 : i32
          %dma_start3A_108 = tpu.memref_slice %arg11[%dma_start3A_106, %dma_start3A_107] : memref<10240x128xf32, #tpu.memory_space<vmem_shared>> -> memref<10240x128xf32, #tpu.memory_space<vmem_shared>>
          tpu.enqueue_indirect_dma source(%arg8 : memref<128x128xf32, #tpu.memory_space<vmem>>) target(%dma_start3A_108 : memref<10240x128xf32, #tpu.memory_space<vmem_shared>>) offsets(%dma_start3A_105 : memref<128xi32, #tpu.memory_space<vmem>>) semaphore(%run_scoped3A : memref<!tpu.dma_semaphore, #tpu.memory_space<semaphore_mem>>) {add = true}
          %dma_wait3A_109 = arith.constant 0 : i32
          %dma_wait3A_110 = tpu.memref_slice %arg7[%add3A_74, %dma_wait3A_109] : memref<40x128xi32, #tpu.memory_space<vmem>> -> memref<1x128xi32, #tpu.memory_space<vmem>>
          %dma_wait3A_111 = tpu.memref_squeeze %dma_wait3A_110 : memref<1x128xi32, #tpu.memory_space<vmem>> -> memref<128xi32, #tpu.memory_space<vmem>>
          %dma_wait3A_112 = arith.constant 0 : i32
          %dma_wait3A_113 = arith.constant 0 : i32
          %dma_wait3A_114 = tpu.memref_slice %arg11[%dma_wait3A_112, %dma_wait3A_113] : memref<10240x128xf32, #tpu.memory_space<vmem_shared>> -> memref<10240x128xf32, #tpu.memory_space<vmem_shared>>
          tpu.wait_indirect_dma semaphore(%run_scoped3A : memref<!tpu.dma_semaphore, #tpu.memory_space<semaphore_mem>>) src(%arg8 : memref<128x128xf32, #tpu.memory_space<vmem>>) dst(%dma_wait3A_114 : memref<10240x128xf32, #tpu.memory_space<vmem_shared>>)
          tpu.yield
        }) : () -> ()
        %add3A_89 = arith.constant 2 : i32
        %add3A_90 = arith.addi %add3A_74, %add3A_89 : i32
        %lt3A = arith.constant 40 : i32
        %lt3A_91 = arith.cmpi slt, %add3A_90, %lt3A : i32
        %convert_element_type3A = arith.extui %lt3A_91 : i1 to i32
        %cond3A = arith.constant 0 : i32
        %cond3A_92 = arith.cmpi ne, %convert_element_type3A, %cond3A : i32
        scf.if %cond3A_92 {
          %add3A_103 = arith.constant 2 : i32
          %add3A_104 = arith.addi %add3A_74, %add3A_103 : i32
          %dma_start3A_105 = arith.constant 0 : i32
          %dma_start3A_106 = tpu.memref_slice %arg6[%add3A_104, %dma_start3A_105] : memref<40x128xi32, #tpu.memory_space<vmem>> -> memref<1x128xi32, #tpu.memory_space<vmem>>
          %dma_start3A_107 = tpu.memref_squeeze %dma_start3A_106 : memref<1x128xi32, #tpu.memory_space<vmem>> -> memref<128xi32, #tpu.memory_space<vmem>>
          %dma_start3A_108 = arith.constant 0 : i32
          %dma_start3A_109 = arith.constant 0 : i32
          %dma_start3A_110 = tpu.memref_slice %arg2[%dma_start3A_108, %dma_start3A_109] : memref<10000x128xf32, #tpu.memory_space<hbm>> -> memref<10000x128xf32, #tpu.memory_space<hbm>>
          tpu.enqueue_indirect_dma source(%dma_start3A_110 : memref<10000x128xf32, #tpu.memory_space<hbm>>) target(%arg8 : memref<128x128xf32, #tpu.memory_space<vmem>>) offsets(%dma_start3A_107 : memref<128xi32, #tpu.memory_space<vmem>>) semaphore(%arg13 : memref<!tpu.dma_semaphore, #tpu.memory_space<semaphore_mem>>)
        } else {
        }
        %add3A_93 = arith.constant 1 : i32
        %add3A_94 = arith.addi %add3A_74, %add3A_93 : i32
        %dma_wait3A_95 = arith.constant 0 : i32
        %dma_wait3A_96 = tpu.memref_slice %arg6[%add3A_94, %dma_wait3A_95] : memref<40x128xi32, #tpu.memory_space<vmem>> -> memref<1x128xi32, #tpu.memory_space<vmem>>
        %dma_wait3A_97 = tpu.memref_squeeze %dma_wait3A_96 : memref<1x128xi32, #tpu.memory_space<vmem>> -> memref<128xi32, #tpu.memory_space<vmem>>
        %dma_wait3A_98 = arith.constant 0 : i32
        %dma_wait3A_99 = arith.constant 0 : i32
        %dma_wait3A_100 = tpu.memref_slice %arg2[%dma_wait3A_98, %dma_wait3A_99] : memref<10000x128xf32, #tpu.memory_space<hbm>> -> memref<10000x128xf32, #tpu.memory_space<hbm>>
        tpu.wait_indirect_dma semaphore(%arg14 : memref<!tpu.dma_semaphore, #tpu.memory_space<semaphore_mem>>) src(%dma_wait3A_100 : memref<10000x128xf32, #tpu.memory_space<hbm>>) dst(%arg9 : memref<128x128xf32, #tpu.memory_space<vmem>>)
        %add3A_101 = arith.constant 1 : i32
        %add3A_102 = arith.addi %add3A_74, %add3A_101 : i32
        "tpu.region"() ({
          %run_scoped3A = tpu.sem_alloc : memref<!tpu.dma_semaphore, #tpu.memory_space<semaphore_mem>>
          %dma_start3A_103 = arith.constant 0 : i32
          %dma_start3A_104 = tpu.memref_slice %arg7[%add3A_102, %dma_start3A_103] : memref<40x128xi32, #tpu.memory_space<vmem>> -> memref<1x128xi32, #tpu.memory_space<vmem>>
          %dma_start3A_105 = tpu.memref_squeeze %dma_start3A_104 : memref<1x128xi32, #tpu.memory_space<vmem>> -> memref<128xi32, #tpu.memory_space<vmem>>
          %dma_start3A_106 = arith.constant 0 : i32
          %dma_start3A_107 = arith.constant 0 : i32
          %dma_start3A_108 = tpu.memref_slice %arg11[%dma_start3A_106, %dma_start3A_107] : memref<10240x128xf32, #tpu.memory_space<vmem_shared>> -> memref<10240x128xf32, #tpu.memory_space<vmem_shared>>
          tpu.enqueue_indirect_dma source(%arg9 : memref<128x128xf32, #tpu.memory_space<vmem>>) target(%dma_start3A_108 : memref<10240x128xf32, #tpu.memory_space<vmem_shared>>) offsets(%dma_start3A_105 : memref<128xi32, #tpu.memory_space<vmem>>) semaphore(%run_scoped3A : memref<!tpu.dma_semaphore, #tpu.memory_space<semaphore_mem>>) {add = true}
          %dma_wait3A_109 = arith.constant 0 : i32
          %dma_wait3A_110 = tpu.memref_slice %arg7[%add3A_102, %dma_wait3A_109] : memref<40x128xi32, #tpu.memory_space<vmem>> -> memref<1x128xi32, #tpu.memory_space<vmem>>
          %dma_wait3A_111 = tpu.memref_squeeze %dma_wait3A_110 : memref<1x128xi32, #tpu.memory_space<vmem>> -> memref<128xi32, #tpu.memory_space<vmem>>
          %dma_wait3A_112 = arith.constant 0 : i32
          %dma_wait3A_113 = arith.constant 0 : i32
          %dma_wait3A_114 = tpu.memref_slice %arg11[%dma_wait3A_112, %dma_wait3A_113] : memref<10240x128xf32, #tpu.memory_space<vmem_shared>> -> memref<10240x128xf32, #tpu.memory_space<vmem_shared>>
          tpu.wait_indirect_dma semaphore(%run_scoped3A : memref<!tpu.dma_semaphore, #tpu.memory_space<semaphore_mem>>) src(%arg9 : memref<128x128xf32, #tpu.memory_space<vmem>>) dst(%dma_wait3A_114 : memref<10240x128xf32, #tpu.memory_space<vmem_shared>>)
          tpu.yield
        }) : () -> ()
      }
      %scan3A_69 = arith.constant 20 : i32
    }
    %barrier3A_33 = arith.constant 0 : index
    tpu.barrier barrier_id(%barrier3A_33)
    %mul3A_34 = arith.constant 640 : i32
    %mul3A_35 = arith.muli %arg1, %mul3A_34 : i32
    %mul3A_36 = arith.constant 640 : i32
    %mul3A_37 = arith.muli %arg1, %mul3A_36 : i32
    "tpu.region"() ({
      %run_scoped3A = tpu.sem_alloc : memref<!tpu.dma_semaphore, #tpu.memory_space<semaphore_mem>>
      %dma_start3A = arith.constant 0 : i32
      %dma_start3A_38 = arith.constant 0 : i32
      %dma_start3A_39 = tpu.memref_slice %arg5[%arg0, %dma_start3A, %dma_start3A_38] : memref<2x10240x128xf32, #tpu.memory_space<hbm>> -> memref<1x10240x128xf32, #tpu.memory_space<hbm>>
      %dma_start3A_40 = tpu.memref_squeeze %dma_start3A_39 : memref<1x10240x128xf32, #tpu.memory_space<hbm>> -> memref<10240x128xf32, #tpu.memory_space<hbm>>
      %dma_start3A_41 = arith.constant 0 : i32
      %dma_start3A_42 = tpu.memref_slice %dma_start3A_40[%mul3A_37, %dma_start3A_41] : memref<10240x128xf32, #tpu.memory_space<hbm>> -> memref<640x128xf32, #tpu.memory_space<hbm>>
      %dma_start3A_43 = arith.constant 0 : i32
      %dma_start3A_44 = tpu.memref_slice %arg11[%mul3A_35, %dma_start3A_43] : memref<10240x128xf32, #tpu.memory_space<vmem_shared>> -> memref<640x128xf32, #tpu.memory_space<vmem_shared>>
      tpu.enqueue_dma source(%dma_start3A_44 : memref<640x128xf32, #tpu.memory_space<vmem_shared>>) target(%dma_start3A_42 : memref<640x128xf32, #tpu.memory_space<hbm>>) target_semaphore(%run_scoped3A : memref<!tpu.dma_semaphore, #tpu.memory_space<semaphore_mem>>)
      %dma_wait3A = arith.constant 0 : i32
      %dma_wait3A_45 = arith.constant 0 : i32
      %dma_wait3A_46 = tpu.memref_slice %arg5[%arg0, %dma_wait3A, %dma_wait3A_45] : memref<2x10240x128xf32, #tpu.memory_space<hbm>> -> memref<1x10240x128xf32, #tpu.memory_space<hbm>>
      %dma_wait3A_47 = tpu.memref_squeeze %dma_wait3A_46 : memref<1x10240x128xf32, #tpu.memory_space<hbm>> -> memref<10240x128xf32, #tpu.memory_space<hbm>>
      %dma_wait3A_48 = arith.constant 0 : i32
      %dma_wait3A_49 = tpu.memref_slice %dma_wait3A_47[%mul3A_37, %dma_wait3A_48] : memref<10240x128xf32, #tpu.memory_space<hbm>> -> memref<640x128xf32, #tpu.memory_space<hbm>>
      %dma_wait3A_50 = arith.constant 0 : i32
      %dma_wait3A_51 = tpu.memref_slice %arg11[%mul3A_35, %dma_wait3A_50] : memref<10240x128xf32, #tpu.memory_space<vmem_shared>> -> memref<640x128xf32, #tpu.memory_space<vmem_shared>>
      tpu.wait_dma2 semaphore(%run_scoped3A : memref<!tpu.dma_semaphore, #tpu.memory_space<semaphore_mem>>) src(%dma_wait3A_51 : memref<640x128xf32, #tpu.memory_space<vmem_shared>>) dst(%dma_wait3A_49 : memref<640x128xf32, #tpu.memory_space<hbm>>)
      tpu.yield
    }) : () -> ()
    return
  }
}

module attributes {stable_mosaic.version = 14 : i64} {
  func.func @_tc0_body(%arg0: memref<10000x128xf32, #tpu.memory_space<vmem>>, %arg1: memref<128x128xf32, #tpu.memory_space<vmem>>, %arg2: memref<10000x128xf32, #tpu.memory_space<vmem>>) attributes {dimension_semantics = [], scalar_prefetch = 0 : i64, scratch_operands = 0 : i64, tpu.core_type = #tpu.core_type<tc>} {
    %get3A = arith.constant 0 : index
    %get3A_0 = arith.constant 0 : index
    %get3A_1 = vector.load %arg0[%get3A, %get3A_0] : memref<10000x128xf32, #tpu.memory_space<vmem>>, vector<10000x128xf32>
    %get3A_2 = arith.constant 0 : index
    %get3A_3 = arith.constant 0 : index
    %get3A_4 = vector.load %arg1[%get3A_2, %get3A_3] : memref<128x128xf32, #tpu.memory_space<vmem>>, vector<128x128xf32>
    %dot_general3A = arith.constant dense<0.000000e+00> : vector<10000x128xf32>
    %dot_general3A_5 = tpu.matmul %get3A_1, %get3A_4, %dot_general3A {dimension_numbers = #tpu.dot_dimension_numbers<[1], [0], [0], [1], [0, 0, 1, 1], [], []>, transpose_lhs_hint = false} : vector<10000x128xf32>, vector<128x128xf32>, vector<10000x128xf32> -> vector<10000x128xf32>
    %swap3A = arith.constant 0 : index
    %swap3A_6 = arith.constant 0 : index
    %swap3A_7 = vector.load %arg2[%swap3A, %swap3A_6] : memref<10000x128xf32, #tpu.memory_space<vmem>>, vector<10000x128xf32>
    tpu.vector_store %arg2[%swap3A, %swap3A_6], %dot_general3A_5 {strides = array<i32>} : memref<10000x128xf32, #tpu.memory_space<vmem>>, vector<10000x128xf32>,
    return
  }
}

module attributes {stable_mosaic.version = 14 : i64} {
  func.func @_tc1_body(%arg0: memref<10000x128xf32, #tpu.memory_space<vmem>>, %arg1: memref<10000x1xf32, #tpu.memory_space<vmem>>, %arg2: memref<10000x1xf32, #tpu.memory_space<vmem>>, %arg3: memref<10000x128xf32, #tpu.memory_space<vmem>>, %arg4: memref<10000x1xf32, #tpu.memory_space<vmem>>) attributes {dimension_semantics = [], scalar_prefetch = 0 : i64, scratch_operands = 0 : i64, tpu.core_type = #tpu.core_type<tc>} {
    %get3A = arith.constant 0 : index
    %get3A_0 = arith.constant 0 : index
    %get3A_1 = vector.load %arg1[%get3A, %get3A_0] : memref<10000x1xf32, #tpu.memory_space<vmem>>, vector<10000x1xf32>
    %add3A = arith.constant 1.000000e+00 : f32
    %add3A_2 = vector.broadcast %add3A : f32 to vector<10000x1xf32>
    %add3A_3 = arith.addf %add3A_2, %get3A_1 : vector<10000x1xf32>
    %get3A_4 = arith.constant 0 : index
    %get3A_5 = arith.constant 0 : index
    %get3A_6 = vector.load %arg2[%get3A_4, %get3A_5] : memref<10000x1xf32, #tpu.memory_space<vmem>>, vector<10000x1xf32>
    %add3A_7 = arith.addf %add3A_3, %get3A_6 : vector<10000x1xf32>
    %rsqrt3A = math.rsqrt %add3A_7 : vector<10000x1xf32>
    %get3A_8 = arith.constant 0 : index
    %get3A_9 = arith.constant 0 : index
    %get3A_10 = vector.load %arg0[%get3A_8, %get3A_9] : memref<10000x128xf32, #tpu.memory_space<vmem>>, vector<10000x128xf32>
    %mul3A = vector.broadcast %rsqrt3A : vector<10000x1xf32> to vector<10000x128xf32>
    %mul3A_11 = arith.mulf %get3A_10, %mul3A : vector<10000x128xf32>
    %swap3A = arith.constant 0 : index
    %swap3A_12 = arith.constant 0 : index
    %swap3A_13 = vector.load %arg3[%swap3A, %swap3A_12] : memref<10000x128xf32, #tpu.memory_space<vmem>>, vector<10000x128xf32>
    tpu.vector_store %arg3[%swap3A, %swap3A_12], %mul3A_11 {strides = array<i32>} : memref<10000x128xf32, #tpu.memory_space<vmem>>, vector<10000x128xf32>,
    %swap3A_14 = arith.constant 0 : index
    %swap3A_15 = arith.constant 0 : index
    %swap3A_16 = vector.load %arg4[%swap3A_14, %swap3A_15] : memref<10000x1xf32, #tpu.memory_space<vmem>>, vector<10000x1xf32>
    tpu.vector_store %arg4[%swap3A_14, %swap3A_15], %rsqrt3A {strides = array<i32>} : memref<10000x1xf32, #tpu.memory_space<vmem>>, vector<10000x1xf32>,
    return
  }
}

module attributes {stable_mosaic.version = 14 : i64} {
  func.func @_tc2_body(%arg0: memref<10000x128xf32, #tpu.memory_space<vmem>>, %arg1: memref<10000x128xf32, #tpu.memory_space<vmem>>, %arg2: memref<10000x128xf32, #tpu.memory_space<vmem>>, %arg3: memref<10000x1xf32, #tpu.memory_space<vmem>>, %arg4: memref<1x128xf32, #tpu.memory_space<vmem>>, %arg5: memref<128x128xf32, #tpu.memory_space<vmem>>, %arg6: memref<10000x128xf32, #tpu.memory_space<vmem>>) attributes {dimension_semantics = [], scalar_prefetch = 0 : i64, scratch_operands = 0 : i64, tpu.core_type = #tpu.core_type<tc>} {
    %get3A = arith.constant 0 : index
    %get3A_0 = arith.constant 0 : index
    %get3A_1 = vector.load %arg3[%get3A, %get3A_0] : memref<10000x1xf32, #tpu.memory_space<vmem>>, vector<10000x1xf32>
    %get3A_2 = arith.constant 0 : index
    %get3A_3 = arith.constant 0 : index
    %get3A_4 = vector.load %arg0[%get3A_2, %get3A_3] : memref<10000x128xf32, #tpu.memory_space<vmem>>, vector<10000x128xf32>
    %get3A_5 = arith.constant 0 : index
    %get3A_6 = arith.constant 0 : index
    %get3A_7 = vector.load %arg1[%get3A_5, %get3A_6] : memref<10000x128xf32, #tpu.memory_space<vmem>>, vector<10000x128xf32>
    %add3A = arith.addf %get3A_4, %get3A_7 : vector<10000x128xf32>
    %get3A_8 = arith.constant 0 : index
    %get3A_9 = arith.constant 0 : index
    %get3A_10 = vector.load %arg2[%get3A_8, %get3A_9] : memref<10000x128xf32, #tpu.memory_space<vmem>>, vector<10000x128xf32>
    %add3A_11 = arith.addf %add3A, %get3A_10 : vector<10000x128xf32>
    %mul3A = vector.broadcast %get3A_1 : vector<10000x1xf32> to vector<10000x128xf32>
    %mul3A_12 = arith.mulf %mul3A, %add3A_11 : vector<10000x128xf32>
    %get3A_13 = arith.constant 0 : index
    %get3A_14 = arith.constant 0 : index
    %get3A_15 = vector.load %arg4[%get3A_13, %get3A_14] : memref<1x128xf32, #tpu.memory_space<vmem>>, vector<1x128xf32>
    %add3A_16 = vector.broadcast %get3A_15 : vector<1x128xf32> to vector<10000x128xf32>
    %add3A_17 = arith.addf %mul3A_12, %add3A_16 : vector<10000x128xf32>
    %max3A = arith.constant 0.000000e+00 : f32
    %max3A_18 = vector.broadcast %max3A : f32 to vector<10000x128xf32>
    %max3A_19 = arith.maximumf %add3A_17, %max3A_18 : vector<10000x128xf32>
    %get3A_20 = arith.constant 0 : index
    %get3A_21 = arith.constant 0 : index
    %get3A_22 = vector.load %arg5[%get3A_20, %get3A_21] : memref<128x128xf32, #tpu.memory_space<vmem>>, vector<128x128xf32>
    %dot_general3A = arith.constant dense<0.000000e+00> : vector<10000x128xf32>
    %dot_general3A_23 = tpu.matmul %max3A_19, %get3A_22, %dot_general3A {dimension_numbers = #tpu.dot_dimension_numbers<[1], [0], [0], [1], [0, 0, 1, 1], [], []>, transpose_lhs_hint = false} : vector<10000x128xf32>, vector<128x128xf32>, vector<10000x128xf32> -> vector<10000x128xf32>
    %mul3A_24 = vector.broadcast %get3A_1 : vector<10000x1xf32> to vector<10000x128xf32>
    %mul3A_25 = arith.mulf %dot_general3A_23, %mul3A_24 : vector<10000x128xf32>
    %swap3A = arith.constant 0 : index
    %swap3A_26 = arith.constant 0 : index
    %swap3A_27 = vector.load %arg6[%swap3A, %swap3A_26] : memref<10000x128xf32, #tpu.memory_space<vmem>>, vector<10000x128xf32>
    tpu.vector_store %arg6[%swap3A, %swap3A_26], %mul3A_25 {strides = array<i32>} : memref<10000x128xf32, #tpu.memory_space<vmem>>, vector<10000x128xf32>,
    return
  }
}

module attributes {stable_mosaic.version = 14 : i64} {
  func.func @_tc3_body(%arg0: memref<10000x128xf32, #tpu.memory_space<vmem>>, %arg1: memref<10000x128xf32, #tpu.memory_space<vmem>>, %arg2: memref<10000x128xf32, #tpu.memory_space<vmem>>, %arg3: memref<10000x1xf32, #tpu.memory_space<vmem>>, %arg4: memref<1x128xf32, #tpu.memory_space<vmem>>, %arg5: memref<10000x1xi32, #tpu.memory_space<vmem>>, %arg6: memref<128x1xf32, #tpu.memory_space<vmem>>, %arg7: memref<1x1xf32, #tpu.memory_space<vmem>>, %arg8: memref<8x1xf32, #tpu.memory_space<vmem>>) attributes {dimension_semantics = [], scalar_prefetch = 0 : i64, scratch_operands = 0 : i64, tpu.core_type = #tpu.core_type<tc>} {
    %get3A = arith.constant 0 : index
    %get3A_0 = arith.constant 0 : index
    %get3A_1 = vector.load %arg3[%get3A, %get3A_0] : memref<10000x1xf32, #tpu.memory_space<vmem>>, vector<10000x1xf32>
    %get3A_2 = arith.constant 0 : index
    %get3A_3 = arith.constant 0 : index
    %get3A_4 = vector.load %arg0[%get3A_2, %get3A_3] : memref<10000x128xf32, #tpu.memory_space<vmem>>, vector<10000x128xf32>
    %get3A_5 = arith.constant 0 : index
    %get3A_6 = arith.constant 0 : index
    %get3A_7 = vector.load %arg1[%get3A_5, %get3A_6] : memref<10000x128xf32, #tpu.memory_space<vmem>>, vector<10000x128xf32>
    %add3A = arith.addf %get3A_4, %get3A_7 : vector<10000x128xf32>
    %get3A_8 = arith.constant 0 : index
    %get3A_9 = arith.constant 0 : index
    %get3A_10 = vector.load %arg2[%get3A_8, %get3A_9] : memref<10000x128xf32, #tpu.memory_space<vmem>>, vector<10000x128xf32>
    %add3A_11 = arith.addf %add3A, %get3A_10 : vector<10000x128xf32>
    %mul3A = vector.broadcast %get3A_1 : vector<10000x1xf32> to vector<10000x128xf32>
    %mul3A_12 = arith.mulf %mul3A, %add3A_11 : vector<10000x128xf32>
    %get3A_13 = arith.constant 0 : index
    %get3A_14 = arith.constant 0 : index
    %get3A_15 = vector.load %arg4[%get3A_13, %get3A_14] : memref<1x128xf32, #tpu.memory_space<vmem>>, vector<1x128xf32>
    %add3A_16 = vector.broadcast %get3A_15 : vector<1x128xf32> to vector<10000x128xf32>
    %add3A_17 = arith.addf %mul3A_12, %add3A_16 : vector<10000x128xf32>
    %max3A = arith.constant 0.000000e+00 : f32
    %max3A_18 = vector.broadcast %max3A : f32 to vector<10000x128xf32>
    %max3A_19 = arith.maximumf %add3A_17, %max3A_18 : vector<10000x128xf32>
    %iota3A = tpu.iota {dimensions = array<i32: 1>} : vector<10000x8xi32>
    %get3A_20 = arith.constant 0 : index
    %get3A_21 = arith.constant 0 : index
    %get3A_22 = vector.load %arg5[%get3A_20, %get3A_21] : memref<10000x1xi32, #tpu.memory_space<vmem>>, vector<10000x1xi32>
    %eq3A = vector.broadcast %get3A_22 : vector<10000x1xi32> to vector<10000x8xi32>
    %eq3A_23 = arith.cmpi eq, %eq3A, %iota3A : vector<10000x8xi32>
    %convert_element_type3A = arith.extui %eq3A_23 : vector<10000x8xi1> to vector<10000x8xi32>
    %convert_element_type3A_24 = arith.sitofp %convert_element_type3A : vector<10000x8xi32> to vector<10000x8xf32>
    %dot_general3A = arith.constant dense<0.000000e+00> : vector<8x128xf32>
    %dot_general3A_25 = tpu.matmul %convert_element_type3A_24, %max3A_19, %dot_general3A {dimension_numbers = #tpu.dot_dimension_numbers<[0], [0], [1], [1], [0, 1, 1, 1], [], []>, precision = #tpu.contract_precision<fp32>, transpose_lhs_hint = false} : vector<10000x8xf32>, vector<10000x128xf32>, vector<8x128xf32> -> vector<8x128xf32>
    %broadcast_in_dim3A = arith.constant 1.000000e+00 : f32
    %broadcast_in_dim3A_26 = vector.broadcast %broadcast_in_dim3A : f32 to vector<10000x1xf32>
    %dot_general3A_27 = arith.constant dense<0.000000e+00> : vector<8x1xf32>
    %dot_general3A_28 = tpu.matmul %convert_element_type3A_24, %broadcast_in_dim3A_26, %dot_general3A_27 {dimension_numbers = #tpu.dot_dimension_numbers<[0], [0], [1], [1], [0, 1, 1, 1], [], []>, precision = #tpu.contract_precision<fp32>, transpose_lhs_hint = false} : vector<10000x8xf32>, vector<10000x1xf32>, vector<8x1xf32> -> vector<8x1xf32>
    %max3A_29 = arith.constant 1.000000e+00 : f32
    %max3A_30 = vector.broadcast %max3A_29 : f32 to vector<8x1xf32>
    %max3A_31 = arith.maximumf %dot_general3A_28, %max3A_30 : vector<8x1xf32>
    %div3A = vector.broadcast %max3A_31 : vector<8x1xf32> to vector<8x128xf32>
    %div3A_32 = arith.divf %dot_general3A_25, %div3A : vector<8x128xf32>
    %get3A_33 = arith.constant 0 : index
    %get3A_34 = arith.constant 0 : index
    %get3A_35 = vector.load %arg6[%get3A_33, %get3A_34] : memref<128x1xf32, #tpu.memory_space<vmem>>, vector<128x1xf32>
    %dot_general3A_36 = arith.constant dense<0.000000e+00> : vector<8x1xf32>
    %dot_general3A_37 = tpu.matmul %div3A_32, %get3A_35, %dot_general3A_36 {dimension_numbers = #tpu.dot_dimension_numbers<[1], [0], [0], [1], [0, 0, 1, 1], [], []>, transpose_lhs_hint = false} : vector<8x128xf32>, vector<128x1xf32>, vector<8x1xf32> -> vector<8x1xf32>
    %get3A_38 = arith.constant 0 : index
    %get3A_39 = arith.constant 0 : index
    %get3A_40 = vector.load %arg7[%get3A_38, %get3A_39] : memref<1x1xf32, #tpu.memory_space<vmem>>, vector<1x1xf32>
    %add3A_41 = vector.broadcast %get3A_40 : vector<1x1xf32> to vector<8x1xf32>
    %add3A_42 = arith.addf %dot_general3A_37, %add3A_41 : vector<8x1xf32>
    %swap3A = arith.constant 0 : index
    %swap3A_43 = arith.constant 0 : index
    %swap3A_44 = vector.load %arg8[%swap3A, %swap3A_43] : memref<8x1xf32, #tpu.memory_space<vmem>>, vector<8x1xf32>
    tpu.vector_store %arg8[%swap3A, %swap3A_43], %add3A_42 {strides = array<i32>} : memref<8x1xf32, #tpu.memory_space<vmem>>, vector<8x1xf32>,
    return
  }
}

</mosaic_0001>

<sc_bundles>
// kernel: kernel.12.cloned.1.call-start
scs
__scs_entry_jumppad:
0x0: {  	(pc) =	sbr.rel $0x88, $3  }
0x1: {  	(tag) =	ssettag $0x0;
	lr =	simm.s32 $0x1  }
0x2: {  	[smem:$0x3F98] =	sst lr;
	_ =	strace $0xD0000000  }
0x3: {  	_ = 	snop  }
0x4: {  	_ = 	snop  }
0x5: {  	_ = 	snop  }
0x6: {  	_ = 	snop  }
0x7: {  	_ = 	snop  }
__scs_overlays_trampoline_lowered:
0x8: {  	[smem:$0x3FA7] =	sst s0  }
0x9: {  	[smem:$0x3FA8] =	sst s1  }
0xa: {  	[smem:$0x3FA9] =	sst s2  }
0xb: {  	[smem:$0x3FAA] =	sst s3  }
0xc: {  	[smem:$0x3FAB] =	sst s4  }
0xd: {  	[smem:$0x3FAC] =	sst s5  }
0xe: {  	[smem:$0x3FAD] =	sst s6  }
0xf: {  	[smem:$0x3FAE] =	sst s7  }
0x10: {  	[smem:$0x3FAF] =	sst s8  }
0x11: {  	[smem:$0x3FB0] =	sst s9;
	s0 =	simm.s32 @!p0 $0x0  }
0x12: {  	s1 =	sld [smem:$0x3F96];
	s0 =	simm.s32 @p0 $0x1  }
0x13: {  	[smem:$0x3FB1] =	sst s0;
	s0 =	simm.s32 @!p1 $0x0  }
0x14: {  	s2 =	sld [smem:$0x3F95];
	s0 =	simm.s32 @p1 $0x1  }
0x15: {  	[smem:$0x3FB2] =	sst s0;
	s0 =	simm.s32 @!p2 $0x0  }
0x16: {  	s3 =	sld [smem:$0x3FDB];
	s0 =	simm.s32 @p2 $0x1  }
0x17: {  	s4 =	simm.s32 $0x1BF5;
	[smem:$0x3FB4] =	sst s0  }
0x18: {  	s0 =	sld [smem:$0x3F97];
	_ =	swait.ge [sflag:s4], $0x0  }
0x19: {  	s7 =	sld [smem:$0x3F98]  }
0x1a: {  	s8 =	sadd.s32 $0xFFFFE003, lr  }
0x1b: {  	s9 =	sadd.s32 $0xFFFFFEF7, lr;
	s5 =	simm.s32 $0xFFFFFFFF;
	p2 =	slt.u32 s8, $0xFFFFF086  }
0x1c: {  	p1 =	slt.u32 s9, $0xF7A;
	s5 =	simm.s32 @!p2 $0x0  }
0x1d: {  	s5 =	simm.s32 @p1 $0x1;
	p0 =	seq.s32 s7, s2  }
0x1e: {  	s7 =	smul.u32 @!p0 $0xF7A, s2;
	p2 =	seq.s32 @!p0 s5, $0x0  }
0x1f: {  	s9 =	smul.u32 $0xF7A, s1;
	s8 =	simm.s32 @!p0 $0x1BF5;
	p2 =	por !p2, p0  }
0x20: {  	[sflag:s8] =	ssyncset.s32 @!p0 $0xFFFFF086;
	s6 =	sadd.s32 @!p0 s3, s7;
	s7 =	simm.s32 @!p0 $0x108  }
0x21: {  	s3 =	sadd.s32 s3, s9;
	s6 =	sadd.s32 @!p0 $0x88, s6;
	s7 =	simm.s32 @p2 $0x1082  }
0x22: {  	[simem:s7], [sflag:s8] =	dma.local @!p0 [hbm:s6], $0xF7A  }
0x23: {  	s9 =	sor.u32 $0xD0000000, s2;
	s6 =	simm.s32 $0x108;
	_ =	swait.ge @!p0 [sflag:s8], $0x0  }
0x24: {  	s3 =	sadd.s32 $0x88, s3;
	s6 =	simm.s32 @!p1 $0x1082;
	[sflag:s4] =	ssyncset.s32 $0xFFFFF086  }
0x25: {  	[simem:s6], [sflag:s4] =	dma.local [hbm:s3], $0xF7A  }
0x26: {  	[smem:$0x3F98] =	sst s1;
	(tag) =	ssettag s2;
	_ =	strace s9  }
0x27: {  	s1 =	sld [smem:$0x3FA8]  }
0x28: {  	s2 =	sld [smem:$0x3FA9]  }
0x29: {  	s4 =	sld [smem:$0x3FAB]  }
0x2a: {  	p0 =	seq.s32 s5, $0x0;
	s5 =	sld [smem:$0x3FAC]  }
0x2b: {  	s6 =	sld [smem:$0x3FAD]  }
0x2c: {  	s7 =	sld [smem:$0x3FAE]  }
0x2d: {  	s3 =	simm.s32 $0x108;
	s8 =	sld [smem:$0x3FAF]  }
0x2e: {  	s3 =	simm.s32 @!p0 $0x1082;
	s9 =	sld [smem:$0x3FB0]  }
0x2f: {  	lr =	sadd.s32 s0, s3;
	s0 =	sld [smem:$0x3FA7]  }
0x30: {  	s3 =	sld [smem:$0x3FAA]  }
0x31: {  	[smem:$0x3FB3] =	sst s10  }
0x32: {  	s10 =	sld [smem:$0x3FB1];
	_ =	sdelay $0x3  }
0x33: {  	p0 =	seq.s32 s10, $0x1;
	s10 =	sld [smem:$0x3FB3];
	_ =	sdelay $0x3  }
0x34: {  	[smem:$0x3FB3] =	sst s10  }
0x35: {  	s10 =	sld [smem:$0x3FB2];
	_ =	sdelay $0x3  }
0x36: {  	p1 =	seq.s32 s10, $0x1;
	s10 =	sld [smem:$0x3FB3];
	_ =	sdelay $0x3  }
0x37: {  	[smem:$0x3FB3] =	sst s10  }
0x38: {  	s10 =	sld [smem:$0x3FB4]  }
0x39: {  	_ = 	snop;
	(pc) =	sbr.ind lr, $3  }
0x3a: {  	_ = 	snop  }
0x3b: {  	_ = 	snop  }
0x3c: {  	p2 =	seq.s32 s10, $0x1;
	s10 =	sld [smem:$0x3FB3]  }
0x3d: {  	_ =	shalt  }
0x3e: {  	_ =	shalt  }
0x3f: {  	_ =	shalt  }
0x40: {  	_ =	shalt  }
0x41: {  	_ =	shalt  }
0x42: {  	_ =	shalt  }
0x43: {  	_ =	shalt  }
0x44: {  	_ =	shalt  }
0x45: {  	_ =	shalt  }
0x46: {  	_ =	shalt  }
0x47: {  	_ =	shalt  }
0x48: {  	_ =	shalt  }
0x49: {  	_ =	shalt  }
0x4a: {  	_ =	shalt  }
0x4b: {  	_ =	shalt  }
0x4c: {  	_ =	shalt  }
0x4d: {  	_ =	shalt  }
0x4e: {  	_ =	shalt  }
0x4f: {  	_ =	shalt  }
0x50: {  	_ =	shalt  }
0x51: {  	_ =	shalt  }
0x52: {  	_ =	shalt  }
0x53: {  	_ =	shalt  }
0x54: {  	_ =	shalt  }
0x55: {  	_ =	shalt  }
0x56: {  	_ =	shalt  }
0x57: {  	_ =	shalt  }
0x58: {  	_ =	shalt  }
0x59: {  	_ =	shalt  }
0x5a: {  	_ =	shalt  }
0x5b: {  	_ =	shalt  }
0x5c: {  	_ =	shalt  }
0x5d: {  	_ =	shalt  }
0x5e: {  	_ =	shalt  }
0x5f: {  	_ =	shalt  }
0x60: {  	_ =	shalt  }
0x61: {  	_ =	shalt  }
0x62: {  	_ =	shalt  }
0x63: {  	_ =	shalt  }
0x64: {  	_ =	shalt  }
0x65: {  	_ =	shalt  }
0x66: {  	_ =	shalt  }
0x67: {  	_ =	shalt  }
0x68: {  	_ =	shalt  }
0x69: {  	_ =	shalt  }
0x6a: {  	_ =	shalt  }
0x6b: {  	_ =	shalt  }
0x6c: {  	_ =	shalt  }
0x6d: {  	_ =	shalt  }
0x6e: {  	_ =	shalt  }
0x6f: {  	_ =	shalt  }
0x70: {  	_ =	shalt  }
0x71: {  	_ =	shalt  }
0x72: {  	_ =	shalt  }
0x73: {  	_ =	shalt  }
0x74: {  	_ =	shalt  }
0x75: {  	_ =	shalt  }
0x76: {  	_ =	shalt  }
0x77: {  	_ =	shalt  }
0x78: {  	_ =	shalt  }
0x79: {  	_ =	shalt  }
0x7a: {  	_ =	shalt  }
0x7b: {  	_ =	shalt  }
0x7c: {  	_ =	shalt  }
0x7d: {  	_ =	shalt  }
0x7e: {  	_ =	shalt  }
0x7f: {  	_ =	shalt  }
0x80: {  	_ =	shalt  }
0x81: {  	_ =	shalt  }
0x82: {  	_ =	shalt  }
0x83: {  	_ =	shalt  }
0x84: {  	_ =	shalt  }
0x85: {  	_ =	shalt  }
0x86: {  	_ =	shalt  }
0x87: {  	_ =	shalt  }
.Lfunc_end0:
.L_simem_size_0:
called_computation.1_lowered:
.L_overlay_start_0:
0x88: {  	s2 =	sld [smem:$0x3FD9]  }
0x89: {  	s3 =	sld [smem:$0x3FFE];
	_ =	sdelay $0x1  }
0x8a: {  	s1 =	srdreg.scid  }
0x8b: {  	s0 =	sand.u32 $0x1, s1  }
0x8c: {  	s16 =	sshll.u32 s0, $0xA;
	s2 =	sadd.s32 s3, s2  }
0x8d: {  	s2 =	sadd.s32 s2, s16  }
0x8e: {  	[smem:$0x3FBF] =	sst s2  }
0x8f: {  	_ = 	snop  }
0x90: {  	(tm) =	ssettm $0x1  }
0x91: {  	s17 =	sld [smem:$0x3FFB];
	_ =	sdelay $0x3  }
0x92: {  	_ =	strace s17  }
0x93: {  	s2 =	sld [smem:$0x3FFC];
	_ =	sdelay $0x3  }
0x94: {  	_ =	strace s2  }
0x95: {  	s2 =	sld [smem:$0x3FFD];
	_ =	sdelay $0x3  }
0x96: {  	_ =	strace s2  }
0x97: {  	_ =	strace $0x8FFFFFFF  }
0x98: {  	s18 =	sld [smem:$0x3FDB];
	_ =	sdelay $0x1  }
0x99: {  	s19 =	simm.s32 $_scs_section_size  }
0x9a: {  	s4 =	simm.s32 $_size__tile_overlayer_lowered;
	s5 =	simm.s32 $_tile_overlayer_lowered  }
0x9b: {  	s22 =	simm.s32 $0x1BFF;
	s21 =	sshll.u32 s5, $0x1;
	s2 =	sadd.s32 s19, s18  }
0x9c: {  	s6 =	simm.s32 $0x0;
	s20 =	sshll.u32 s4, $0x1;
	s4 =	sadd.s32 s21, s2  }
0x9d: {  	[timem:s6], [sflag:s22] =	dma.local [hbm:s4], s20  }
0x9e: {  	_ =	swait.ge [sflag:s22], s20  }
0x9f: {  	s3 =	ssub.s32 $0x0, s20;
	[sflag:s22] =	ssyncset.done $0x0  }
0xa0: {  	[sflag:s22] =	ssyncadd.s32 s3;
	_ =	sdelay $0x1  }
0xa1: {  	s23 =	simm.s32 $0x1B8B  }
0xa2: {  	_ =	swait.ge [sflag:s23], $0x1  }
0xa3: {  	[sflag:s23] =	ssyncset.done $0x0  }
0xa4: {  	s25 =	simm.s32 $0x1B8E;
	s24 =	sld [smem:$0x3FFE];
	[sflag:s23] =	ssyncadd.s32 $0xFFFFFFFF  }
0xa5: {  	s26 =	simm.s32 $execute0_lowered;
	[smem:$0x3FD2] =	sst s25  }
0xa6: {  	s4 =	sshll.u32 s26, $0x1;
	_ =	strace $0x80000049;
	[dreg:$0x1] =	wrdreg $0xFFFFFFFF  }
0xa7: {  	s28 =	simm.s32 $_size_execute0_lowered;
	s2 =	sadd.s32 s2, s4;
	[dreg:$0x0] =	wrdreg $0x0  }
0xa8: {  	s4 =	sshll.u32 s28, $0x1;
	[dreg:$0x2] =	wrdreg s2  }
0xa9: {  	[dreg:$0x3] =	wrdreg s4  }
0xaa: {  	[dreg:$0x4] =	wrdreg $0xC0  }
0xab: {  	_ =	task [dreg:s6], $0x5FFFF  }
0xac: {  	[dreg:$0x1] =	wrdreg $0xFFFFFFFF  }
0xad: {  	[dreg:$0x0] =	wrdreg $0x60  }
0xae: {  	[dreg:$0x2] =	wrdreg s24  }
0xaf: {  	[dreg:$0x3] =	wrdreg $0xB0000  }
0xb0: {  	[dreg:$0x4] =	wrdreg $0x9  }
0xb1: {  	_ =	task.clear_ibuf [dreg:s6], $0x5FFFF;
	_ =	strace $0x90000049  }
0xb2: {  	s29 =	simm.s32 $0x9;
	_ =	strace $0x8000004B  }
0xb3: {  	_ =	swait.ge [sflag:s29], $0x1  }
0xb4: {  	[sflag:s29] =	ssyncadd.s32 $0xFFFFFFFF  }
0xb5: {  	_ =	strace $0x9000004B  }
0xb6: {  	_ =	sfence  }
0xb7: {  	s30 =	sld [smem:$0x0];
	_ =	sdelay $0x2  }
0xb8: {  	s31 =	sshll.u32 s1, $0xD;
	s1 =	sshrl.u32 s1, $0x2  }
0xb9: {  	s3 =	sand.u32 $0x4000, s31;
	s1 =	sadd.s32 s1, s30  }
0xba: {  	s0 =	sor.u32 s3, s0;
	s1 =	sshll.u32 s1, $0x11  }
0xbb: {  	s0 =	sor.u32 s1, s0  }
0xbc: {  	s0 =	sadd.s32 $0x8F2B, s0  }
0xbd: {  	[sflag:s0] =	ssyncadd.remote.s32 $0x1  }
0xbe: {  	_ =	sfence.sel $0xFFFF  }
0xbf: {  	[dreg:$0x0] =	wrdreg $0xFFFFFFFF;
	(pc) =	sbr.abs _section_cstart, $3  }
0xc0: {  	[dreg:$0x1] =	wrdreg $0xFFFFFFFF  }
0xc1: {  	_ =	task.clear_ibuf [dreg:s6], $0x2FFFF;
	_ =	strace $0x9FFFFFFF  }
0xc2: {  	(tm) =	ssettm $0x7FFFFFFF  }
0xc3: {  	_ =	shalt  }
tec
execute0_lowered:
.L_overlay_start_1:
0x0: {  	(tag) =	ssettag $0x1  }
0x1: {  	s5 =	rddreg [dreg:$0x0]  }
0x2: {  	s1 =	rddreg [dreg:$0x1]  }
0x3: {  	s0 =	rddreg [dreg:$0x2];
	s2 =	simm.s32 $0x0  }
0x4: {  	s3 =	srdreg.scid;
	s13 =	simm.s32 $0x1;
	s14 =	simm.s32 $0x1400  }
0x5: {  	s15 =	simm.s32 $0x80;
	s16 =	simm.s32 $0x2800;
	s17 =	simm.s32 $0x6800  }
0x6: {  	s18 =	simm.s32 $0x2;
	s19 =	simm.s32 $0x3;
	s20 =	simm.s32 $0x1380  }
0x7: {  	s21 =	simm.s32 $0x2700;
	[smem:$0x7FF] =	sst s2;
	s6 =	sand.u32 $0x1, s3  }
0x8: {  	s22 =	simm.s32 $0x2780;
	s3 =	stileid.u32;
	s7 =	smul.u32 $0x28000, s6  }
0x9: {  	s4 =	sadd.s32 $0x17A00, s5;
	s9 =	sadd.s32 $0x3A00, s5;
	s8 =	smul.u32 $0x50000, s3  }
0xa: {  	s10 =	sadd.s32 $0xDA00, s5;
	_ =	strace $0x8000004A;
	s12 =	smul.u32 $0x50, s3  }
0xb: {  	s26 =	ssub.s32 $0x2, s6;
	s6 =	ssub.s32 $0x0, s6;
	s24 =	smul.u32 $0x2800, s3  }
0xc: {  	s11 =	sshrl.u32 s26, $0x1;
	s28 =	sand.u32 $0x500, s6;
	s7 =	sadd.s32 s7, s5  }
0xd: {  	s11 =	ssub.s32 s26, s11;
	s29 =	sshrl.u32 s8, $0x2;
	s30 =	sadd.s32 s12, s28  }
0xe: {  	s12 =	simm.s32 $0x4;
	s5 =	sadd.s32 s29, s1;
	s31 =	sshll.u32 s30, $0x4  }
0xf: {  	s23 =	sadd.s32 $0x65E00, s7;
	s6 =	smax.u32 s11, $0x1;
	s7 =	sadd.s32 s9, s31  }
0x10: {  	s8 =	sadd.s32 s10, s31;
	s11 =	sadd.s32 $0x280, s31;
	s23 =	sadd.s32 s24, s23  }
0x11: {  	v0 =	vimm.f32 $0.0e+00;
	s9 =	sadd.s32 s9, s11;
	s10 =	sadd.s32 s10, s11;
	s11 =	simm.s32 $0xA800  }
.LBB2_1:
0x12: {  	s24 =	simm.s32 $0x0;
	s25 =	simm.s32 $0x200  }
.LBB2_2:
0x13: {  	p0 =	sne.s32 s25, $0x1E00;
	[tilespmem:s24+$0xA870] =	vst v0  }
0x14: {  	[tilespmem:s24+$0xA800] =	vst v0  }
0x15: {  	[tilespmem:s24+$0xA810] =	vst v0  }
.Ltmp0:
0x16: {  	[tilespmem:s24+$0xA820] =	vst v0;
	(pc) =	sbr.rel @p0 .LBB2_2-.Ltmp0, $4  }
0x17: {  	[tilespmem:s24+$0xA830] =	vst v0  }
0x18: {  	[tilespmem:s24+$0xA840] =	vst v0  }
0x19: {  	[tilespmem:s24+$0xA850] =	vst v0  }
0x1a: {  	[tilespmem:s24+$0xA860] =	vst v0;
	s24 =	sshra.s32 s25, $0x2;
	s25 =	sadd.s32 $0x200, s25  }
0x1b: {  	[tilespmem:s24+$0xA870] =	vst v0  }
0x1c: {  	[tilespmem:s24+$0xA800] =	vst v0  }
0x1d: {  	[tilespmem:s24+$0xA810] =	vst v0  }
0x1e: {  	[tilespmem:s24+$0xA820] =	vst v0  }
0x1f: {  	[tilespmem:s24+$0xA830] =	vst v0  }
0x20: {  	[tilespmem:s24+$0xA840] =	vst v0  }
0x21: {  	[tilespmem:s24+$0xA850] =	vst v0  }
0x22: {  	[tilespmem:s24+$0xA860] =	vst v0;
	s31 =	sadd.s32 $0x0, s5  }
0x23: {  	[spmem:s31] =	stream.linear.scatter [tilespmem:s11], [sflag:$0x4], $0x800, $0x38;
	[tilespmem:$0x1F000] =	vst v63  }
0x24: {  	s24 =	simm.s32 $0x2000;
	_ =	swait.ge [sflag:s12], $0x800  }
.LBB2_4:
0x25: {  	s25 =	sshra.s32 s24, $0x2;
	[sflag:s12] =	ssyncset.done $0x0;
	p0 =	sne.s32 s24, $0x4E000  }
.Ltmp1:
0x26: {  	s25 =	sadd.s32 s25, s5;
	[sflag:s12] =	ssyncadd.s32 $0xFFFFF800;
	(pc) =	sbr.rel @p0 .LBB2_4-.Ltmp1, $3  }
0x27: {  	[spmem:s25] =	stream.linear.scatter [tilespmem:s11], [sflag:$0x4], $0x800, $0x38;
	[tilespmem:$0x1F000] =	vst v63  }
0x28: {  	s24 =	sadd.s32 $0x2000, s24;
	_ =	sdelay $0x1  }
0x29: {  	_ =	swait.ge [sflag:s12], $0x800  }
0x2a: {  	[sflag:s12] =	ssyncset.done $0x0  }
0x2b: {  	[sflag:s12] =	ssyncadd.s32 $0xFFFFF800  }
0x2c: {  	s24 =	simm.s32 $0x0;
	[bflag:$0x0] =	sbarrier.arrive $0xFFFF  }
0x2d: {  	[tilespmem:s24], [sflag:$0x1] =	stream.linear.gather [hbm4b:s7+s24], $0x1400, $0x38;
	[tilespmem:$0x1F000] =	vst v63  }
0x2e: {  	_ =	swait.ge [sflag:s13], $0x1400  }
0x2f: {  	[sflag:s13] =	ssyncset.done $0x0  }
0x30: {  	[sflag:s13] =	ssyncadd.s32 $0xFFFFEC00  }
0x31: {  	[tilespmem:s14], [sflag:$0x1] =	stream.linear.gather [hbm4b:s8+s24], $0x1400, $0x38;
	[tilespmem:$0x1F000] =	vst v63  }
0x32: {  	_ =	swait.ge [sflag:s13], $0x1400  }
0x33: {  	[sflag:s13] =	ssyncset.done $0x0  }
0x34: {  	[sflag:s13] =	ssyncadd.s32 $0xFFFFEC00  }
0x35: {  	[tilespmem:s16], [sflag:$0x2] =	stream.indirect.gather [hbm4b:s4+s15], $0x80, s24, s15, $0xb8;
	[tilespmem:$0x1F000] =	vst v63  }
0x36: {  	s28 =	simm.s32 $0x80  }
0x37: {  	[tilespmem:s17], [sflag:$0x3] =	stream.indirect.gather [hbm4b:s4+s15], $0x80, s28, s15, $0xb8;
	[tilespmem:$0x1F000] =	vst v63  }
0x38: {  	_ =	swait.ge [sflag:s18], $0x4000  }
0x39: {  	[sflag:s18] =	ssyncset.done $0x0  }
0x3a: {  	s29 =	simm.s32 $0x1400;
	[sflag:s18] =	ssyncadd.s32 $0xFFFFC000  }
0x3b: {  	[spmem:s1] =	stream.indirect.scatter.add.f32 [tilespmem:s16], [sflag:$0x4], $0x80, s29, s15, $0xb8;
	[tilespmem:$0x1F000] =	vst v63  }
0x3c: {  	_ =	swait.ge [sflag:s12], $0x4000  }
0x3d: {  	[sflag:s12] =	ssyncset.done $0x0  }
0x3e: {  	s30 =	simm.s32 $0x100;
	[sflag:s12] =	ssyncadd.s32 $0xFFFFC000  }
0x3f: {  	[tilespmem:s16], [sflag:$0x2] =	stream.indirect.gather [hbm4b:s4+s15], $0x80, s30, s15, $0xb8;
	[tilespmem:$0x1F000] =	vst v63  }
0x40: {  	_ =	swait.ge [sflag:s19], $0x4000  }
0x41: {  	[sflag:s19] =	ssyncset.done $0x0  }
0x42: {  	s31 =	simm.s32 $0x1480;
	[sflag:s19] =	ssyncadd.s32 $0xFFFFC000  }
0x43: {  	[spmem:s1] =	stream.indirect.scatter.add.f32 [tilespmem:s17], [sflag:$0x4], $0x80, s31, s15, $0xb8;
	[tilespmem:$0x1F000] =	vst v63  }
0x44: {  	_ =	swait.ge [sflag:s12], $0x4000  }
0x45: {  	s25 =	simm.s32 $0x800;
	s24 =	simm.s32 $0x100;
	[sflag:s12] =	ssyncset.done $0x0  }
.LBB2_6:
0x46: {  	s26 =	sadd.s32 $0x80, s24  }
0x47: {  	[sflag:s12] =	ssyncadd.s32 $0xFFFFC000;
	s28 =	smov.u32 s25;
	s29 =	sadd.s32 $0x400, s25  }
0x48: {  	[tilespmem:s17], [sflag:$0x3] =	stream.indirect.gather [hbm4b:s4+s15], $0x80, s26, s15, $0xb8;
	[tilespmem:$0x1F000] =	vst v63  }
0x49: {  	p0 =	sne.s32 s25, $0x4800;
	_ =	swait.ge [sflag:s18], $0x4000  }
0x4a: {  	[sflag:s18] =	ssyncset.done $0x0  }
0x4b: {  	s25 =	sadd.s32 $0x1400, s24;
	[sflag:s18] =	ssyncadd.s32 $0xFFFFC000  }
0x4c: {  	[spmem:s1] =	stream.indirect.scatter.add.f32 [tilespmem:s16], [sflag:$0x4], $0x80, s25, s15, $0xb8;
	[tilespmem:$0x1F000] =	vst v63  }
0x4d: {  	_ =	swait.ge [sflag:s12], $0x4000  }
0x4e: {  	[sflag:s12] =	ssyncset.done $0x0  }
0x4f: {  	s25 =	sadd.s32 $0x100, s24;
	[sflag:s12] =	ssyncadd.s32 $0xFFFFC000  }
0x50: {  	[tilespmem:s16], [sflag:$0x2] =	stream.indirect.gather [hbm4b:s4+s15], $0x80, s25, s15, $0xb8;
	[tilespmem:$0x1F000] =	vst v63  }
0x51: {  	_ =	swait.ge [sflag:s19], $0x4000  }
.Ltmp2:
0x52: {  	[sflag:s19] =	ssyncset.done $0x0;
	(pc) =	sbr.rel @p0 .LBB2_6-.Ltmp2, $4  }
0x53: {  	s24 =	sadd.s32 $0x1480, s24;
	[sflag:s19] =	ssyncadd.s32 $0xFFFFC000  }
0x54: {  	[spmem:s1] =	stream.indirect.scatter.add.f32 [tilespmem:s17], [sflag:$0x4], $0x80, s24, s15, $0xb8;
	[tilespmem:$0x1F000] =	vst v63  }
0x55: {  	_ =	swait.ge [sflag:s12], $0x4000  }
0x56: {  	s25 =	smov.u32 s29;
	s24 =	sshra.s32 s28, $0x2;
	[sflag:s12] =	ssyncset.done $0x0  }
0x57: {  	s25 =	sadd.s32 $0x80, s24;
	[sflag:s12] =	ssyncadd.s32 $0xFFFFC000  }
0x58: {  	[tilespmem:s17], [sflag:$0x3] =	stream.indirect.gather [hbm4b:s4+s15], $0x80, s25, s15, $0xb8;
	[tilespmem:$0x1F000] =	vst v63  }
0x59: {  	_ =	swait.ge [sflag:s18], $0x4000  }
0x5a: {  	[sflag:s18] =	ssyncset.done $0x0  }
0x5b: {  	s30 =	sadd.s32 $0x1400, s24;
	[sflag:s18] =	ssyncadd.s32 $0xFFFFC000  }
0x5c: {  	[spmem:s1] =	stream.indirect.scatter.add.f32 [tilespmem:s16], [sflag:$0x4], $0x80, s30, s15, $0xb8;
	[tilespmem:$0x1F000] =	vst v63  }
0x5d: {  	_ =	swait.ge [sflag:s12], $0x4000  }
0x5e: {  	[sflag:s12] =	ssyncset.done $0x0  }
0x5f: {  	s31 =	sadd.s32 $0x100, s24;
	[sflag:s12] =	ssyncadd.s32 $0xFFFFC000  }
0x60: {  	[tilespmem:s16], [sflag:$0x2] =	stream.indirect.gather [hbm4b:s4+s15], $0x80, s31, s15, $0xb8;
	[tilespmem:$0x1F000] =	vst v63  }
0x61: {  	_ =	swait.ge [sflag:s19], $0x4000  }
0x62: {  	[sflag:s19] =	ssyncset.done $0x0  }
0x63: {  	s25 =	sadd.s32 $0x1480, s24;
	[sflag:s19] =	ssyncadd.s32 $0xFFFFC000  }
0x64: {  	[spmem:s1] =	stream.indirect.scatter.add.f32 [tilespmem:s17], [sflag:$0x4], $0x80, s25, s15, $0xb8;
	[tilespmem:$0x1F000] =	vst v63  }
0x65: {  	_ =	swait.ge [sflag:s12], $0x4000  }
0x66: {  	[sflag:s12] =	ssyncset.done $0x0  }
0x67: {  	[sflag:s12] =	ssyncadd.s32 $0xFFFFC000  }
0x68: {  	[tilespmem:s17], [sflag:$0x3] =	stream.indirect.gather [hbm4b:s4+s15], $0x80, s20, s15, $0xb8;
	[tilespmem:$0x1F000] =	vst v63  }
0x69: {  	_ =	swait.ge [sflag:s18], $0x4000  }
0x6a: {  	[sflag:s18] =	ssyncset.done $0x0  }
0x6b: {  	[sflag:s18] =	ssyncadd.s32 $0xFFFFC000  }
0x6c: {  	[spmem:s1] =	stream.indirect.scatter.add.f32 [tilespmem:s16], [sflag:$0x4], $0x80, s21, s15, $0xb8;
	[tilespmem:$0x1F000] =	vst v63  }
0x6d: {  	_ =	swait.ge [sflag:s12], $0x4000  }
0x6e: {  	[sflag:s12] =	ssyncset.done $0x0  }
0x6f: {  	[sflag:s12] =	ssyncadd.s32 $0xFFFFC000  }
0x70: {  	_ =	swait.ge [sflag:s19], $0x4000  }
0x71: {  	[sflag:s19] =	ssyncset.done $0x0  }
0x72: {  	[sflag:s19] =	ssyncadd.s32 $0xFFFFC000  }
0x73: {  	[spmem:s1] =	stream.indirect.scatter.add.f32 [tilespmem:s17], [sflag:$0x4], $0x80, s22, s15, $0xb8;
	[tilespmem:$0x1F000] =	vst v63  }
0x74: {  	_ =	swait.ge [sflag:s12], $0x4000  }
0x75: {  	[sflag:s12] =	ssyncset.done $0x0  }
0x76: {  	s26 =	simm.s32 $0x0;
	[sflag:s12] =	ssyncadd.s32 $0xFFFFC000  }
0x77: {  	[tilespmem:s26], [sflag:$0x1] =	stream.linear.gather [hbm4b:s9+s26], $0x1400, $0x38;
	[tilespmem:$0x1F000] =	vst v63  }
0x78: {  	_ =	swait.ge [sflag:s13], $0x1400  }
0x79: {  	[sflag:s13] =	ssyncset.done $0x0  }
0x7a: {  	[sflag:s13] =	ssyncadd.s32 $0xFFFFEC00  }
0x7b: {  	[tilespmem:s14], [sflag:$0x1] =	stream.linear.gather [hbm4b:s10+s26], $0x1400, $0x38;
	[tilespmem:$0x1F000] =	vst v63  }
0x7c: {  	_ =	swait.ge [sflag:s13], $0x1400  }
0x7d: {  	[sflag:s13] =	ssyncset.done $0x0  }
0x7e: {  	[sflag:s13] =	ssyncadd.s32 $0xFFFFEC00  }
0x7f: {  	[tilespmem:s16], [sflag:$0x2] =	stream.indirect.gather [hbm4b:s4+s15], $0x80, s26, s15, $0xb8;
	[tilespmem:$0x1F000] =	vst v63  }
0x80: {  	s28 =	simm.s32 $0x80  }
0x81: {  	[tilespmem:s17], [sflag:$0x3] =	stream.indirect.gather [hbm4b:s4+s15], $0x80, s28, s15, $0xb8;
	[tilespmem:$0x1F000] =	vst v63  }
0x82: {  	_ =	swait.ge [sflag:s18], $0x4000  }
0x83: {  	[sflag:s18] =	ssyncset.done $0x0  }
0x84: {  	s29 =	simm.s32 $0x1400;
	[sflag:s18] =	ssyncadd.s32 $0xFFFFC000  }
0x85: {  	[spmem:s1] =	stream.indirect.scatter.add.f32 [tilespmem:s16], [sflag:$0x4], $0x80, s29, s15, $0xb8;
	[tilespmem:$0x1F000] =	vst v63  }
0x86: {  	_ =	swait.ge [sflag:s12], $0x4000  }
0x87: {  	[sflag:s12] =	ssyncset.done $0x0  }
0x88: {  	s30 =	simm.s32 $0x100;
	[sflag:s12] =	ssyncadd.s32 $0xFFFFC000  }
0x89: {  	[tilespmem:s16], [sflag:$0x2] =	stream.indirect.gather [hbm4b:s4+s15], $0x80, s30, s15, $0xb8;
	[tilespmem:$0x1F000] =	vst v63  }
0x8a: {  	_ =	swait.ge [sflag:s19], $0x4000  }
0x8b: {  	[sflag:s19] =	ssyncset.done $0x0  }
0x8c: {  	s31 =	simm.s32 $0x1480;
	[sflag:s19] =	ssyncadd.s32 $0xFFFFC000  }
0x8d: {  	[spmem:s1] =	stream.indirect.scatter.add.f32 [tilespmem:s17], [sflag:$0x4], $0x80, s31, s15, $0xb8;
	[tilespmem:$0x1F000] =	vst v63  }
0x8e: {  	_ =	swait.ge [sflag:s12], $0x4000  }
0x8f: {  	s24 =	simm.s32 $0x100;
	s25 =	simm.s32 $0x800;
	[sflag:s12] =	ssyncset.done $0x0  }
.LBB2_8:
0x90: {  	s26 =	sadd.s32 $0x80, s24  }
0x91: {  	[sflag:s12] =	ssyncadd.s32 $0xFFFFC000;
	s28 =	smov.u32 s25;
	s29 =	sadd.s32 $0x400, s25  }
0x92: {  	[tilespmem:s17], [sflag:$0x3] =	stream.indirect.gather [hbm4b:s4+s15], $0x80, s26, s15, $0xb8;
	[tilespmem:$0x1F000] =	vst v63  }
0x93: {  	p0 =	sne.s32 s25, $0x4800;
	_ =	swait.ge [sflag:s18], $0x4000  }
0x94: {  	[sflag:s18] =	ssyncset.done $0x0  }
0x95: {  	s25 =	sadd.s32 $0x1400, s24;
	[sflag:s18] =	ssyncadd.s32 $0xFFFFC000  }
0x96: {  	[spmem:s1] =	stream.indirect.scatter.add.f32 [tilespmem:s16], [sflag:$0x4], $0x80, s25, s15, $0xb8;
	[tilespmem:$0x1F000] =	vst v63  }
0x97: {  	_ =	swait.ge [sflag:s12], $0x4000  }
0x98: {  	[sflag:s12] =	ssyncset.done $0x0  }
0x99: {  	s25 =	sadd.s32 $0x100, s24;
	[sflag:s12] =	ssyncadd.s32 $0xFFFFC000  }
0x9a: {  	[tilespmem:s16], [sflag:$0x2] =	stream.indirect.gather [hbm4b:s4+s15], $0x80, s25, s15, $0xb8;
	[tilespmem:$0x1F000] =	vst v63  }
0x9b: {  	_ =	swait.ge [sflag:s19], $0x4000  }
.Ltmp3:
0x9c: {  	[sflag:s19] =	ssyncset.done $0x0;
	(pc) =	sbr.rel @p0 .LBB2_8-.Ltmp3, $4  }
0x9d: {  	s24 =	sadd.s32 $0x1480, s24;
	[sflag:s19] =	ssyncadd.s32 $0xFFFFC000  }
0x9e: {  	[spmem:s1] =	stream.indirect.scatter.add.f32 [tilespmem:s17], [sflag:$0x4], $0x80, s24, s15, $0xb8;
	[tilespmem:$0x1F000] =	vst v63  }
0x9f: {  	_ =	swait.ge [sflag:s12], $0x4000  }
0xa0: {  	s25 =	smov.u32 s29;
	s24 =	sshra.s32 s28, $0x2;
	[sflag:s12] =	ssyncset.done $0x0  }
0xa1: {  	s25 =	sadd.s32 $0x80, s24;
	[sflag:s12] =	ssyncadd.s32 $0xFFFFC000  }
0xa2: {  	[tilespmem:s17], [sflag:$0x3] =	stream.indirect.gather [hbm4b:s4+s15], $0x80, s25, s15, $0xb8;
	[tilespmem:$0x1F000] =	vst v63  }
0xa3: {  	_ =	swait.ge [sflag:s18], $0x4000  }
0xa4: {  	[sflag:s18] =	ssyncset.done $0x0  }
0xa5: {  	s26 =	sadd.s32 $0x1400, s24;
	[sflag:s18] =	ssyncadd.s32 $0xFFFFC000  }
0xa6: {  	[spmem:s1] =	stream.indirect.scatter.add.f32 [tilespmem:s16], [sflag:$0x4], $0x80, s26, s15, $0xb8;
	[tilespmem:$0x1F000] =	vst v63  }
0xa7: {  	_ =	swait.ge [sflag:s12], $0x4000  }
0xa8: {  	[sflag:s12] =	ssyncset.done $0x0  }
0xa9: {  	s28 =	sadd.s32 $0x100, s24;
	[sflag:s12] =	ssyncadd.s32 $0xFFFFC000  }
0xaa: {  	[tilespmem:s16], [sflag:$0x2] =	stream.indirect.gather [hbm4b:s4+s15], $0x80, s28, s15, $0xb8;
	[tilespmem:$0x1F000] =	vst v63  }
0xab: {  	_ =	swait.ge [sflag:s19], $0x4000  }
0xac: {  	[sflag:s19] =	ssyncset.done $0x0  }
0xad: {  	s29 =	sadd.s32 $0x1480, s24;
	[sflag:s19] =	ssyncadd.s32 $0xFFFFC000  }
0xae: {  	[spmem:s1] =	stream.indirect.scatter.add.f32 [tilespmem:s17], [sflag:$0x4], $0x80, s29, s15, $0xb8;
	[tilespmem:$0x1F000] =	vst v63  }
0xaf: {  	_ =	swait.ge [sflag:s12], $0x4000  }
0xb0: {  	[sflag:s12] =	ssyncset.done $0x0  }
0xb1: {  	[sflag:s12] =	ssyncadd.s32 $0xFFFFC000  }
0xb2: {  	[tilespmem:s17], [sflag:$0x3] =	stream.indirect.gather [hbm4b:s4+s15], $0x80, s20, s15, $0xb8;
	[tilespmem:$0x1F000] =	vst v63  }
0xb3: {  	_ =	swait.ge [sflag:s18], $0x4000  }
0xb4: {  	[sflag:s18] =	ssyncset.done $0x0  }
0xb5: {  	[sflag:s18] =	ssyncadd.s32 $0xFFFFC000  }
0xb6: {  	[spmem:s1] =	stream.indirect.scatter.add.f32 [tilespmem:s16], [sflag:$0x4], $0x80, s21, s15, $0xb8;
	[tilespmem:$0x1F000] =	vst v63  }
0xb7: {  	_ =	swait.ge [sflag:s12], $0x4000  }
0xb8: {  	[sflag:s12] =	ssyncset.done $0x0  }
0xb9: {  	[sflag:s12] =	ssyncadd.s32 $0xFFFFC000  }
0xba: {  	_ =	swait.ge [sflag:s19], $0x4000  }
0xbb: {  	[sflag:s19] =	ssyncset.done $0x0  }
0xbc: {  	[sflag:s19] =	ssyncadd.s32 $0xFFFFC000  }
0xbd: {  	[spmem:s1] =	stream.indirect.scatter.add.f32 [tilespmem:s17], [sflag:$0x4], $0x80, s22, s15, $0xb8;
	[tilespmem:$0x1F000] =	vst v63  }
0xbe: {  	_ =	swait.ge [sflag:s12], $0x4000  }
0xbf: {  	s30 =	sshll.u32 s3, $0x6;
	s2 =	sadd.s32 $0x1, s2;
	[sflag:s12] =	ssyncset.done $0x0  }
0xc0: {  	s31 =	sshrl.u32 s5, $0x3;
	p0 =	sne.s32 s2, s6;
	[sflag:s12] =	ssyncadd.s32 $0xFFFFC000  }
.Ltmp4:
0xc1: {  	s24 =	sor.u32 $0x1C04, s30;
	[bflag:$0x0] =	sbarrier.arrive $0xFFFF;
	(pc) =	sbr.rel @p0 .LBB2_1-.Ltmp4, $4  }
0xc2: {  	[hbm:s23], [sflag:s24] =	dma.local [spmem:s31], $0x2800  }
0xc3: {  	_ =	swait.ge [sflag:s12], $0x2800  }
0xc4: {  	[sflag:s12] =	ssyncset.done $0x0  }
0xc5: {  	[sflag:s12] =	ssyncadd.s32 $0xFFFFD800  }
0xc6: {  	_ =	sfence.sel $0x180000  }
0xc7: {  	[bflag:$0x0] =	sbarrier.arrive $0xFFFF  }
0xc8: {  	p0 =	sne.s32 s3, $0x0;
	_ =	strace $0x9000004A  }
0xc9: {  	s0 =	sadd.s32 @!p0 $0x100000, s0;
	[bflag:$0x2] =	sbarrier.arrive $0xFFFF  }
0xca: {  	[sflag:s0] =	ssyncadd.tile.s32 @!p0 $0x1;
	_ =	shalt  }
.Lfunc_end2:
_tile_overlayer_lowered:
.L_overlay_start_2:
0xcb: {  	(tag) =	ssettag $0x2  }
0xcc: {  	s0 =	rddreg [dreg:$0x0];
	s2 =	stileid.u32  }
0xcd: {  	s1 =	rddreg [dreg:$0x1];
	p0 =	sne.s32 s2, $0x0  }
0xce: {  	s3 =	rddreg [dreg:$0x2];
	[bflag:$0x3] =	sbarrier.arrive $0xFFFF;
	s2 =	simm.s32 @!p0 $0x1C04  }
0xcf: {  	[timem:s3], [sflag:s2] =	dma.local @!p0 [hbm:s0], s1  }
0xd0: {  	s0 =	simm.s32 @!p0 $0x4  }
0xd1: {  	_ =	swait.ge @!p0 [sflag:s0], s1  }
0xd2: {  	s1 =	ssub.s32 @!p0 $0x0, s1;
	[sflag:s0] =	ssyncset.done @!p0 $0x0  }
0xd3: {  	[sflag:s0] =	ssyncadd.s32 @!p0 s1  }
0xd4: {  	[bflag:$0x3] =	sbarrier.arrive $0xFFFF  }
0xd5: {  	_ =	shalt  }

// kernel: kernel.15.cloned.1.call-start
scs
__scs_entry_jumppad:
0x0: {  	(pc) =	sbr.rel $0x88, $3  }
0x1: {  	(tag) =	ssettag $0x0;
	lr =	simm.s32 $0x1  }
0x2: {  	[smem:$0x3F98] =	sst lr;
	_ =	strace $0xD0000000  }
0x3: {  	_ = 	snop  }
0x4: {  	_ = 	snop  }
0x5: {  	_ = 	snop  }
0x6: {  	_ = 	snop  }
0x7: {  	_ = 	snop  }
__scs_overlays_trampoline_lowered:
0x8: {  	[smem:$0x3FA7] =	sst s0  }
0x9: {  	[smem:$0x3FA8] =	sst s1  }
0xa: {  	[smem:$0x3FA9] =	sst s2  }
0xb: {  	[smem:$0x3FAA] =	sst s3  }
0xc: {  	[smem:$0x3FAB] =	sst s4  }
0xd: {  	[smem:$0x3FAC] =	sst s5  }
0xe: {  	[smem:$0x3FAD] =	sst s6  }
0xf: {  	[smem:$0x3FAE] =	sst s7  }
0x10: {  	[smem:$0x3FAF] =	sst s8  }
0x11: {  	[smem:$0x3FB0] =	sst s9;
	s0 =	simm.s32 @!p0 $0x0  }
0x12: {  	s1 =	sld [smem:$0x3F96];
	s0 =	simm.s32 @p0 $0x1  }
0x13: {  	[smem:$0x3FB1] =	sst s0;
	s0 =	simm.s32 @!p1 $0x0  }
0x14: {  	s2 =	sld [smem:$0x3F95];
	s0 =	simm.s32 @p1 $0x1  }
0x15: {  	[smem:$0x3FB2] =	sst s0;
	s0 =	simm.s32 @!p2 $0x0  }
0x16: {  	s3 =	sld [smem:$0x3FDB];
	s0 =	simm.s32 @p2 $0x1  }
0x17: {  	s4 =	simm.s32 $0x1BF5;
	[smem:$0x3FB4] =	sst s0  }
0x18: {  	s0 =	sld [smem:$0x3F97];
	_ =	swait.ge [sflag:s4], $0x0  }
0x19: {  	s7 =	sld [smem:$0x3F98]  }
0x1a: {  	s8 =	sadd.s32 $0xFFFFE003, lr  }
0x1b: {  	s9 =	sadd.s32 $0xFFFFFEF7, lr;
	s5 =	simm.s32 $0xFFFFFFFF;
	p2 =	slt.u32 s8, $0xFFFFF086  }
0x1c: {  	p1 =	slt.u32 s9, $0xF7A;
	s5 =	simm.s32 @!p2 $0x0  }
0x1d: {  	s5 =	simm.s32 @p1 $0x1;
	p0 =	seq.s32 s7, s2  }
0x1e: {  	s7 =	smul.u32 @!p0 $0xF7A, s2;
	p2 =	seq.s32 @!p0 s5, $0x0  }
0x1f: {  	s9 =	smul.u32 $0xF7A, s1;
	s8 =	simm.s32 @!p0 $0x1BF5;
	p2 =	por !p2, p0  }
0x20: {  	[sflag:s8] =	ssyncset.s32 @!p0 $0xFFFFF086;
	s6 =	sadd.s32 @!p0 s3, s7;
	s7 =	simm.s32 @!p0 $0x108  }
0x21: {  	s3 =	sadd.s32 s3, s9;
	s6 =	sadd.s32 @!p0 $0x88, s6;
	s7 =	simm.s32 @p2 $0x1082  }
0x22: {  	[simem:s7], [sflag:s8] =	dma.local @!p0 [hbm:s6], $0xF7A  }
0x23: {  	s9 =	sor.u32 $0xD0000000, s2;
	s6 =	simm.s32 $0x108;
	_ =	swait.ge @!p0 [sflag:s8], $0x0  }
0x24: {  	s3 =	sadd.s32 $0x88, s3;
	s6 =	simm.s32 @!p1 $0x1082;
	[sflag:s4] =	ssyncset.s32 $0xFFFFF086  }
0x25: {  	[simem:s6], [sflag:s4] =	dma.local [hbm:s3], $0xF7A  }
0x26: {  	[smem:$0x3F98] =	sst s1;
	(tag) =	ssettag s2;
	_ =	strace s9  }
0x27: {  	s1 =	sld [smem:$0x3FA8]  }
0x28: {  	s2 =	sld [smem:$0x3FA9]  }
0x29: {  	s4 =	sld [smem:$0x3FAB]  }
0x2a: {  	p0 =	seq.s32 s5, $0x0;
	s5 =	sld [smem:$0x3FAC]  }
0x2b: {  	s6 =	sld [smem:$0x3FAD]  }
0x2c: {  	s7 =	sld [smem:$0x3FAE]  }
0x2d: {  	s3 =	simm.s32 $0x108;
	s8 =	sld [smem:$0x3FAF]  }
0x2e: {  	s3 =	simm.s32 @!p0 $0x1082;
	s9 =	sld [smem:$0x3FB0]  }
0x2f: {  	lr =	sadd.s32 s0, s3;
	s0 =	sld [smem:$0x3FA7]  }
0x30: {  	s3 =	sld [smem:$0x3FAA]  }
0x31: {  	[smem:$0x3FB3] =	sst s10  }
0x32: {  	s10 =	sld [smem:$0x3FB1];
	_ =	sdelay $0x3  }
0x33: {  	p0 =	seq.s32 s10, $0x1;
	s10 =	sld [smem:$0x3FB3];
	_ =	sdelay $0x3  }
0x34: {  	[smem:$0x3FB3] =	sst s10  }
0x35: {  	s10 =	sld [smem:$0x3FB2];
	_ =	sdelay $0x3  }
0x36: {  	p1 =	seq.s32 s10, $0x1;
	s10 =	sld [smem:$0x3FB3];
	_ =	sdelay $0x3  }
0x37: {  	[smem:$0x3FB3] =	sst s10  }
0x38: {  	s10 =	sld [smem:$0x3FB4]  }
0x39: {  	_ = 	snop;
	(pc) =	sbr.ind lr, $3  }
0x3a: {  	_ = 	snop  }
0x3b: {  	_ = 	snop  }
0x3c: {  	p2 =	seq.s32 s10, $0x1;
	s10 =	sld [smem:$0x3FB3]  }
0x3d: {  	_ =	shalt  }
0x3e: {  	_ =	shalt  }
0x3f: {  	_ =	shalt  }
0x40: {  	_ =	shalt  }
0x41: {  	_ =	shalt  }
0x42: {  	_ =	shalt  }
0x43: {  	_ =	shalt  }
0x44: {  	_ =	shalt  }
0x45: {  	_ =	shalt  }
0x46: {  	_ =	shalt  }
0x47: {  	_ =	shalt  }
0x48: {  	_ =	shalt  }
0x49: {  	_ =	shalt  }
0x4a: {  	_ =	shalt  }
0x4b: {  	_ =	shalt  }
0x4c: {  	_ =	shalt  }
0x4d: {  	_ =	shalt  }
0x4e: {  	_ =	shalt  }
0x4f: {  	_ =	shalt  }
0x50: {  	_ =	shalt  }
0x51: {  	_ =	shalt  }
0x52: {  	_ =	shalt  }
0x53: {  	_ =	shalt  }
0x54: {  	_ =	shalt  }
0x55: {  	_ =	shalt  }
0x56: {  	_ =	shalt  }
0x57: {  	_ =	shalt  }
0x58: {  	_ =	shalt  }
0x59: {  	_ =	shalt  }
0x5a: {  	_ =	shalt  }
0x5b: {  	_ =	shalt  }
0x5c: {  	_ =	shalt  }
0x5d: {  	_ =	shalt  }
0x5e: {  	_ =	shalt  }
0x5f: {  	_ =	shalt  }
0x60: {  	_ =	shalt  }
0x61: {  	_ =	shalt  }
0x62: {  	_ =	shalt  }
0x63: {  	_ =	shalt  }
0x64: {  	_ =	shalt  }
0x65: {  	_ =	shalt  }
0x66: {  	_ =	shalt  }
0x67: {  	_ =	shalt  }
0x68: {  	_ =	shalt  }
0x69: {  	_ =	shalt  }
0x6a: {  	_ =	shalt  }
0x6b: {  	_ =	shalt  }
0x6c: {  	_ =	shalt  }
0x6d: {  	_ =	shalt  }
0x6e: {  	_ =	shalt  }
0x6f: {  	_ =	shalt  }
0x70: {  	_ =	shalt  }
0x71: {  	_ =	shalt  }
0x72: {  	_ =	shalt  }
0x73: {  	_ =	shalt  }
0x74: {  	_ =	shalt  }
0x75: {  	_ =	shalt  }
0x76: {  	_ =	shalt  }
0x77: {  	_ =	shalt  }
0x78: {  	_ =	shalt  }
0x79: {  	_ =	shalt  }
0x7a: {  	_ =	shalt  }
0x7b: {  	_ =	shalt  }
0x7c: {  	_ =	shalt  }
0x7d: {  	_ =	shalt  }
0x7e: {  	_ =	shalt  }
0x7f: {  	_ =	shalt  }
0x80: {  	_ =	shalt  }
0x81: {  	_ =	shalt  }
0x82: {  	_ =	shalt  }
0x83: {  	_ =	shalt  }
0x84: {  	_ =	shalt  }
0x85: {  	_ =	shalt  }
0x86: {  	_ =	shalt  }
0x87: {  	_ =	shalt  }
.Lfunc_end0:
.L_simem_size_0:
called_computation.2_lowered:
.L_overlay_start_0:
0x88: {  	s2 =	sld [smem:$0x3FD9]  }
0x89: {  	s3 =	sld [smem:$0x3FFE];
	_ =	sdelay $0x1  }
0x8a: {  	s1 =	srdreg.scid  }
0x8b: {  	s0 =	sand.u32 $0x1, s1  }
0x8c: {  	s16 =	sshll.u32 s0, $0xA;
	s2 =	sadd.s32 s3, s2  }
0x8d: {  	s2 =	sadd.s32 s2, s16  }
0x8e: {  	[smem:$0x3FBF] =	sst s2  }
0x8f: {  	_ = 	snop  }
0x90: {  	(tm) =	ssettm $0x1  }
0x91: {  	s17 =	sld [smem:$0x3FFB];
	_ =	sdelay $0x3  }
0x92: {  	_ =	strace s17  }
0x93: {  	s2 =	sld [smem:$0x3FFC];
	_ =	sdelay $0x3  }
0x94: {  	_ =	strace s2  }
0x95: {  	s2 =	sld [smem:$0x3FFD];
	_ =	sdelay $0x3  }
0x96: {  	_ =	strace s2  }
0x97: {  	_ =	strace $0x8FFFFFFF  }
0x98: {  	s18 =	sld [smem:$0x3FDB];
	_ =	sdelay $0x1  }
0x99: {  	s19 =	simm.s32 $_scs_section_size  }
0x9a: {  	s4 =	simm.s32 $_size__tile_overlayer_lowered;
	s5 =	simm.s32 $_tile_overlayer_lowered  }
0x9b: {  	s22 =	simm.s32 $0x1BFF;
	s21 =	sshll.u32 s5, $0x1;
	s2 =	sadd.s32 s19, s18  }
0x9c: {  	s6 =	simm.s32 $0x0;
	s20 =	sshll.u32 s4, $0x1;
	s4 =	sadd.s32 s21, s2  }
0x9d: {  	[timem:s6], [sflag:s22] =	dma.local [hbm:s4], s20  }
0x9e: {  	_ =	swait.ge [sflag:s22], s20  }
0x9f: {  	s3 =	ssub.s32 $0x0, s20;
	[sflag:s22] =	ssyncset.done $0x0  }
0xa0: {  	[sflag:s22] =	ssyncadd.s32 s3;
	_ =	sdelay $0x1  }
0xa1: {  	s23 =	simm.s32 $0x1B8B  }
0xa2: {  	_ =	swait.ge [sflag:s23], $0x1  }
0xa3: {  	[sflag:s23] =	ssyncset.done $0x0  }
0xa4: {  	s25 =	simm.s32 $0x1B8E;
	s24 =	sld [smem:$0x3FFE];
	[sflag:s23] =	ssyncadd.s32 $0xFFFFFFFF  }
0xa5: {  	s26 =	simm.s32 $execute0_lowered;
	[smem:$0x3FD2] =	sst s25  }
0xa6: {  	s4 =	sshll.u32 s26, $0x1;
	_ =	strace $0x8000004C;
	[dreg:$0x1] =	wrdreg $0xFFFFFFFF  }
0xa7: {  	s28 =	simm.s32 $_size_execute0_lowered;
	s2 =	sadd.s32 s2, s4;
	[dreg:$0x0] =	wrdreg $0x0  }
0xa8: {  	s4 =	sshll.u32 s28, $0x1;
	[dreg:$0x2] =	wrdreg s2  }
0xa9: {  	[dreg:$0x3] =	wrdreg s4  }
0xaa: {  	[dreg:$0x4] =	wrdreg $0xC0  }
0xab: {  	_ =	task [dreg:s6], $0x5FFFF  }
0xac: {  	[dreg:$0x1] =	wrdreg $0xFFFFFFFF  }
0xad: {  	[dreg:$0x0] =	wrdreg $0x60  }
0xae: {  	[dreg:$0x2] =	wrdreg s24  }
0xaf: {  	[dreg:$0x3] =	wrdreg $0xB0000  }
0xb0: {  	[dreg:$0x4] =	wrdreg $0x9  }
0xb1: {  	_ =	task.clear_ibuf [dreg:s6], $0x5FFFF;
	_ =	strace $0x9000004C  }
0xb2: {  	s29 =	simm.s32 $0x9;
	_ =	strace $0x8000004E  }
0xb3: {  	_ =	swait.ge [sflag:s29], $0x1  }
0xb4: {  	[sflag:s29] =	ssyncadd.s32 $0xFFFFFFFF  }
0xb5: {  	_ =	strace $0x9000004E  }
0xb6: {  	_ =	sfence  }
0xb7: {  	s30 =	sld [smem:$0x0];
	_ =	sdelay $0x2  }
0xb8: {  	s31 =	sshll.u32 s1, $0xD;
	s1 =	sshrl.u32 s1, $0x2  }
0xb9: {  	s3 =	sand.u32 $0x4000, s31;
	s1 =	sadd.s32 s1, s30  }
0xba: {  	s0 =	sor.u32 s3, s0;
	s1 =	sshll.u32 s1, $0x11  }
0xbb: {  	s0 =	sor.u32 s1, s0  }
0xbc: {  	s0 =	sadd.s32 $0x8F2B, s0  }
0xbd: {  	[sflag:s0] =	ssyncadd.remote.s32 $0x1  }
0xbe: {  	_ =	sfence.sel $0xFFFF  }
0xbf: {  	[dreg:$0x0] =	wrdreg $0xFFFFFFFF;
	(pc) =	sbr.abs _section_cstart, $3  }
0xc0: {  	[dreg:$0x1] =	wrdreg $0xFFFFFFFF  }
0xc1: {  	_ =	task.clear_ibuf [dreg:s6], $0x2FFFF;
	_ =	strace $0x9FFFFFFF  }
0xc2: {  	(tm) =	ssettm $0x7FFFFFFF  }
0xc3: {  	_ =	shalt  }
tec
execute0_lowered:
.L_overlay_start_1:
0x0: {  	(tag) =	ssettag $0x1  }
0x1: {  	s5 =	rddreg [dreg:$0x0]  }
0x2: {  	s1 =	rddreg [dreg:$0x1]  }
0x3: {  	s0 =	rddreg [dreg:$0x2];
	s2 =	simm.s32 $0x0  }
0x4: {  	s3 =	srdreg.scid;
	s13 =	simm.s32 $0x1;
	s14 =	simm.s32 $0x1400  }
0x5: {  	s15 =	simm.s32 $0x80;
	s16 =	simm.s32 $0x2800;
	s17 =	simm.s32 $0x6800  }
0x6: {  	s18 =	simm.s32 $0x2;
	s19 =	simm.s32 $0x3;
	s20 =	simm.s32 $0x1380  }
0x7: {  	s21 =	simm.s32 $0x2700;
	[smem:$0x7FF] =	sst s2;
	s6 =	sand.u32 $0x1, s3  }
0x8: {  	s22 =	simm.s32 $0x2780;
	s3 =	stileid.u32;
	s7 =	smul.u32 $0x28000, s6  }
0x9: {  	s4 =	sadd.s32 $0x17A00, s5;
	s9 =	sadd.s32 $0x3A00, s5;
	s8 =	smul.u32 $0x50000, s3  }
0xa: {  	s10 =	sadd.s32 $0xDA00, s5;
	_ =	strace $0x8000004D;
	s12 =	smul.u32 $0x50, s3  }
0xb: {  	s26 =	ssub.s32 $0x2, s6;
	s6 =	ssub.s32 $0x0, s6;
	s24 =	smul.u32 $0x2800, s3  }
0xc: {  	s11 =	sshrl.u32 s26, $0x1;
	s28 =	sand.u32 $0x500, s6;
	s7 =	sadd.s32 s7, s5  }
0xd: {  	s11 =	ssub.s32 s26, s11;
	s29 =	sshrl.u32 s8, $0x2;
	s30 =	sadd.s32 s12, s28  }
0xe: {  	s12 =	simm.s32 $0x4;
	s5 =	sadd.s32 s29, s1;
	s31 =	sshll.u32 s30, $0x4  }
0xf: {  	s23 =	sadd.s32 $0x65E00, s7;
	s6 =	smax.u32 s11, $0x1;
	s7 =	sadd.s32 s9, s31  }
0x10: {  	s8 =	sadd.s32 s10, s31;
	s11 =	sadd.s32 $0x280, s31;
	s23 =	sadd.s32 s24, s23  }
0x11: {  	v0 =	vimm.f32 $0.0e+00;
	s9 =	sadd.s32 s9, s11;
	s10 =	sadd.s32 s10, s11;
	s11 =	simm.s32 $0xA800  }
.LBB2_1:
0x12: {  	s24 =	simm.s32 $0x0;
	s25 =	simm.s32 $0x200  }
.LBB2_2:
0x13: {  	p0 =	sne.s32 s25, $0x1E00;
	[tilespmem:s24+$0xA870] =	vst v0  }
0x14: {  	[tilespmem:s24+$0xA800] =	vst v0  }
0x15: {  	[tilespmem:s24+$0xA810] =	vst v0  }
.Ltmp0:
0x16: {  	[tilespmem:s24+$0xA820] =	vst v0;
	(pc) =	sbr.rel @p0 .LBB2_2-.Ltmp0, $4  }
0x17: {  	[tilespmem:s24+$0xA830] =	vst v0  }
0x18: {  	[tilespmem:s24+$0xA840] =	vst v0  }
0x19: {  	[tilespmem:s24+$0xA850] =	vst v0  }
0x1a: {  	[tilespmem:s24+$0xA860] =	vst v0;
	s24 =	sshra.s32 s25, $0x2;
	s25 =	sadd.s32 $0x200, s25  }
0x1b: {  	[tilespmem:s24+$0xA870] =	vst v0  }
0x1c: {  	[tilespmem:s24+$0xA800] =	vst v0  }
0x1d: {  	[tilespmem:s24+$0xA810] =	vst v0  }
0x1e: {  	[tilespmem:s24+$0xA820] =	vst v0  }
0x1f: {  	[tilespmem:s24+$0xA830] =	vst v0  }
0x20: {  	[tilespmem:s24+$0xA840] =	vst v0  }
0x21: {  	[tilespmem:s24+$0xA850] =	vst v0  }
0x22: {  	[tilespmem:s24+$0xA860] =	vst v0;
	s31 =	sadd.s32 $0x0, s5  }
0x23: {  	[spmem:s31] =	stream.linear.scatter [tilespmem:s11], [sflag:$0x4], $0x800, $0x38;
	[tilespmem:$0x1F000] =	vst v63  }
0x24: {  	s24 =	simm.s32 $0x2000;
	_ =	swait.ge [sflag:s12], $0x800  }
.LBB2_4:
0x25: {  	s25 =	sshra.s32 s24, $0x2;
	[sflag:s12] =	ssyncset.done $0x0;
	p0 =	sne.s32 s24, $0x4E000  }
.Ltmp1:
0x26: {  	s25 =	sadd.s32 s25, s5;
	[sflag:s12] =	ssyncadd.s32 $0xFFFFF800;
	(pc) =	sbr.rel @p0 .LBB2_4-.Ltmp1, $3  }
0x27: {  	[spmem:s25] =	stream.linear.scatter [tilespmem:s11], [sflag:$0x4], $0x800, $0x38;
	[tilespmem:$0x1F000] =	vst v63  }
0x28: {  	s24 =	sadd.s32 $0x2000, s24;
	_ =	sdelay $0x1  }
0x29: {  	_ =	swait.ge [sflag:s12], $0x800  }
0x2a: {  	[sflag:s12] =	ssyncset.done $0x0  }
0x2b: {  	[sflag:s12] =	ssyncadd.s32 $0xFFFFF800  }
0x2c: {  	s24 =	simm.s32 $0x0;
	[bflag:$0x0] =	sbarrier.arrive $0xFFFF  }
0x2d: {  	[tilespmem:s24], [sflag:$0x1] =	stream.linear.gather [hbm4b:s7+s24], $0x1400, $0x38;
	[tilespmem:$0x1F000] =	vst v63  }
0x2e: {  	_ =	swait.ge [sflag:s13], $0x1400  }
0x2f: {  	[sflag:s13] =	ssyncset.done $0x0  }
0x30: {  	[sflag:s13] =	ssyncadd.s32 $0xFFFFEC00  }
0x31: {  	[tilespmem:s14], [sflag:$0x1] =	stream.linear.gather [hbm4b:s8+s24], $0x1400, $0x38;
	[tilespmem:$0x1F000] =	vst v63  }
0x32: {  	_ =	swait.ge [sflag:s13], $0x1400  }
0x33: {  	[sflag:s13] =	ssyncset.done $0x0  }
0x34: {  	[sflag:s13] =	ssyncadd.s32 $0xFFFFEC00  }
0x35: {  	[tilespmem:s16], [sflag:$0x2] =	stream.indirect.gather [hbm4b:s4+s15], $0x80, s24, s15, $0xb8;
	[tilespmem:$0x1F000] =	vst v63  }
0x36: {  	s28 =	simm.s32 $0x80  }
0x37: {  	[tilespmem:s17], [sflag:$0x3] =	stream.indirect.gather [hbm4b:s4+s15], $0x80, s28, s15, $0xb8;
	[tilespmem:$0x1F000] =	vst v63  }
0x38: {  	_ =	swait.ge [sflag:s18], $0x4000  }
0x39: {  	[sflag:s18] =	ssyncset.done $0x0  }
0x3a: {  	s29 =	simm.s32 $0x1400;
	[sflag:s18] =	ssyncadd.s32 $0xFFFFC000  }
0x3b: {  	[spmem:s1] =	stream.indirect.scatter.add.f32 [tilespmem:s16], [sflag:$0x4], $0x80, s29, s15, $0xb8;
	[tilespmem:$0x1F000] =	vst v63  }
0x3c: {  	_ =	swait.ge [sflag:s12], $0x4000  }
0x3d: {  	[sflag:s12] =	ssyncset.done $0x0  }
0x3e: {  	s30 =	simm.s32 $0x100;
	[sflag:s12] =	ssyncadd.s32 $0xFFFFC000  }
0x3f: {  	[tilespmem:s16], [sflag:$0x2] =	stream.indirect.gather [hbm4b:s4+s15], $0x80, s30, s15, $0xb8;
	[tilespmem:$0x1F000] =	vst v63  }
0x40: {  	_ =	swait.ge [sflag:s19], $0x4000  }
0x41: {  	[sflag:s19] =	ssyncset.done $0x0  }
0x42: {  	s31 =	simm.s32 $0x1480;
	[sflag:s19] =	ssyncadd.s32 $0xFFFFC000  }
0x43: {  	[spmem:s1] =	stream.indirect.scatter.add.f32 [tilespmem:s17], [sflag:$0x4], $0x80, s31, s15, $0xb8;
	[tilespmem:$0x1F000] =	vst v63  }
0x44: {  	_ =	swait.ge [sflag:s12], $0x4000  }
0x45: {  	s25 =	simm.s32 $0x800;
	s24 =	simm.s32 $0x100;
	[sflag:s12] =	ssyncset.done $0x0  }
.LBB2_6:
0x46: {  	s26 =	sadd.s32 $0x80, s24  }
0x47: {  	[sflag:s12] =	ssyncadd.s32 $0xFFFFC000;
	s28 =	smov.u32 s25;
	s29 =	sadd.s32 $0x400, s25  }
0x48: {  	[tilespmem:s17], [sflag:$0x3] =	stream.indirect.gather [hbm4b:s4+s15], $0x80, s26, s15, $0xb8;
	[tilespmem:$0x1F000] =	vst v63  }
0x49: {  	p0 =	sne.s32 s25, $0x4800;
	_ =	swait.ge [sflag:s18], $0x4000  }
0x4a: {  	[sflag:s18] =	ssyncset.done $0x0  }
0x4b: {  	s25 =	sadd.s32 $0x1400, s24;
	[sflag:s18] =	ssyncadd.s32 $0xFFFFC000  }
0x4c: {  	[spmem:s1] =	stream.indirect.scatter.add.f32 [tilespmem:s16], [sflag:$0x4], $0x80, s25, s15, $0xb8;
	[tilespmem:$0x1F000] =	vst v63  }
0x4d: {  	_ =	swait.ge [sflag:s12], $0x4000  }
0x4e: {  	[sflag:s12] =	ssyncset.done $0x0  }
0x4f: {  	s25 =	sadd.s32 $0x100, s24;
	[sflag:s12] =	ssyncadd.s32 $0xFFFFC000  }
0x50: {  	[tilespmem:s16], [sflag:$0x2] =	stream.indirect.gather [hbm4b:s4+s15], $0x80, s25, s15, $0xb8;
	[tilespmem:$0x1F000] =	vst v63  }
0x51: {  	_ =	swait.ge [sflag:s19], $0x4000  }
.Ltmp2:
0x52: {  	[sflag:s19] =	ssyncset.done $0x0;
	(pc) =	sbr.rel @p0 .LBB2_6-.Ltmp2, $4  }
0x53: {  	s24 =	sadd.s32 $0x1480, s24;
	[sflag:s19] =	ssyncadd.s32 $0xFFFFC000  }
0x54: {  	[spmem:s1] =	stream.indirect.scatter.add.f32 [tilespmem:s17], [sflag:$0x4], $0x80, s24, s15, $0xb8;
	[tilespmem:$0x1F000] =	vst v63  }
0x55: {  	_ =	swait.ge [sflag:s12], $0x4000  }
0x56: {  	s25 =	smov.u32 s29;
	s24 =	sshra.s32 s28, $0x2;
	[sflag:s12] =	ssyncset.done $0x0  }
0x57: {  	s25 =	sadd.s32 $0x80, s24;
	[sflag:s12] =	ssyncadd.s32 $0xFFFFC000  }
0x58: {  	[tilespmem:s17], [sflag:$0x3] =	stream.indirect.gather [hbm4b:s4+s15], $0x80, s25, s15, $0xb8;
	[tilespmem:$0x1F000] =	vst v63  }
0x59: {  	_ =	swait.ge [sflag:s18], $0x4000  }
0x5a: {  	[sflag:s18] =	ssyncset.done $0x0  }
0x5b: {  	s30 =	sadd.s32 $0x1400, s24;
	[sflag:s18] =	ssyncadd.s32 $0xFFFFC000  }
0x5c: {  	[spmem:s1] =	stream.indirect.scatter.add.f32 [tilespmem:s16], [sflag:$0x4], $0x80, s30, s15, $0xb8;
	[tilespmem:$0x1F000] =	vst v63  }
0x5d: {  	_ =	swait.ge [sflag:s12], $0x4000  }
0x5e: {  	[sflag:s12] =	ssyncset.done $0x0  }
0x5f: {  	s31 =	sadd.s32 $0x100, s24;
	[sflag:s12] =	ssyncadd.s32 $0xFFFFC000  }
0x60: {  	[tilespmem:s16], [sflag:$0x2] =	stream.indirect.gather [hbm4b:s4+s15], $0x80, s31, s15, $0xb8;
	[tilespmem:$0x1F000] =	vst v63  }
0x61: {  	_ =	swait.ge [sflag:s19], $0x4000  }
0x62: {  	[sflag:s19] =	ssyncset.done $0x0  }
0x63: {  	s25 =	sadd.s32 $0x1480, s24;
	[sflag:s19] =	ssyncadd.s32 $0xFFFFC000  }
0x64: {  	[spmem:s1] =	stream.indirect.scatter.add.f32 [tilespmem:s17], [sflag:$0x4], $0x80, s25, s15, $0xb8;
	[tilespmem:$0x1F000] =	vst v63  }
0x65: {  	_ =	swait.ge [sflag:s12], $0x4000  }
0x66: {  	[sflag:s12] =	ssyncset.done $0x0  }
0x67: {  	[sflag:s12] =	ssyncadd.s32 $0xFFFFC000  }
0x68: {  	[tilespmem:s17], [sflag:$0x3] =	stream.indirect.gather [hbm4b:s4+s15], $0x80, s20, s15, $0xb8;
	[tilespmem:$0x1F000] =	vst v63  }
0x69: {  	_ =	swait.ge [sflag:s18], $0x4000  }
0x6a: {  	[sflag:s18] =	ssyncset.done $0x0  }
0x6b: {  	[sflag:s18] =	ssyncadd.s32 $0xFFFFC000  }
0x6c: {  	[spmem:s1] =	stream.indirect.scatter.add.f32 [tilespmem:s16], [sflag:$0x4], $0x80, s21, s15, $0xb8;
	[tilespmem:$0x1F000] =	vst v63  }
0x6d: {  	_ =	swait.ge [sflag:s12], $0x4000  }
0x6e: {  	[sflag:s12] =	ssyncset.done $0x0  }
0x6f: {  	[sflag:s12] =	ssyncadd.s32 $0xFFFFC000  }
0x70: {  	_ =	swait.ge [sflag:s19], $0x4000  }
0x71: {  	[sflag:s19] =	ssyncset.done $0x0  }
0x72: {  	[sflag:s19] =	ssyncadd.s32 $0xFFFFC000  }
0x73: {  	[spmem:s1] =	stream.indirect.scatter.add.f32 [tilespmem:s17], [sflag:$0x4], $0x80, s22, s15, $0xb8;
	[tilespmem:$0x1F000] =	vst v63  }
0x74: {  	_ =	swait.ge [sflag:s12], $0x4000  }
0x75: {  	[sflag:s12] =	ssyncset.done $0x0  }
0x76: {  	s26 =	simm.s32 $0x0;
	[sflag:s12] =	ssyncadd.s32 $0xFFFFC000  }
0x77: {  	[tilespmem:s26], [sflag:$0x1] =	stream.linear.gather [hbm4b:s9+s26], $0x1400, $0x38;
	[tilespmem:$0x1F000] =	vst v63  }
0x78: {  	_ =	swait.ge [sflag:s13], $0x1400  }
0x79: {  	[sflag:s13] =	ssyncset.done $0x0  }
0x7a: {  	[sflag:s13] =	ssyncadd.s32 $0xFFFFEC00  }
0x7b: {  	[tilespmem:s14], [sflag:$0x1] =	stream.linear.gather [hbm4b:s10+s26], $0x1400, $0x38;
	[tilespmem:$0x1F000] =	vst v63  }
0x7c: {  	_ =	swait.ge [sflag:s13], $0x1400  }
0x7d: {  	[sflag:s13] =	ssyncset.done $0x0  }
0x7e: {  	[sflag:s13] =	ssyncadd.s32 $0xFFFFEC00  }
0x7f: {  	[tilespmem:s16], [sflag:$0x2] =	stream.indirect.gather [hbm4b:s4+s15], $0x80, s26, s15, $0xb8;
	[tilespmem:$0x1F000] =	vst v63  }
0x80: {  	s28 =	simm.s32 $0x80  }
0x81: {  	[tilespmem:s17], [sflag:$0x3] =	stream.indirect.gather [hbm4b:s4+s15], $0x80, s28, s15, $0xb8;
	[tilespmem:$0x1F000] =	vst v63  }
0x82: {  	_ =	swait.ge [sflag:s18], $0x4000  }
0x83: {  	[sflag:s18] =	ssyncset.done $0x0  }
0x84: {  	s29 =	simm.s32 $0x1400;
	[sflag:s18] =	ssyncadd.s32 $0xFFFFC000  }
0x85: {  	[spmem:s1] =	stream.indirect.scatter.add.f32 [tilespmem:s16], [sflag:$0x4], $0x80, s29, s15, $0xb8;
	[tilespmem:$0x1F000] =	vst v63  }
0x86: {  	_ =	swait.ge [sflag:s12], $0x4000  }
0x87: {  	[sflag:s12] =	ssyncset.done $0x0  }
0x88: {  	s30 =	simm.s32 $0x100;
	[sflag:s12] =	ssyncadd.s32 $0xFFFFC000  }
0x89: {  	[tilespmem:s16], [sflag:$0x2] =	stream.indirect.gather [hbm4b:s4+s15], $0x80, s30, s15, $0xb8;
	[tilespmem:$0x1F000] =	vst v63  }
0x8a: {  	_ =	swait.ge [sflag:s19], $0x4000  }
0x8b: {  	[sflag:s19] =	ssyncset.done $0x0  }
0x8c: {  	s31 =	simm.s32 $0x1480;
	[sflag:s19] =	ssyncadd.s32 $0xFFFFC000  }
0x8d: {  	[spmem:s1] =	stream.indirect.scatter.add.f32 [tilespmem:s17], [sflag:$0x4], $0x80, s31, s15, $0xb8;
	[tilespmem:$0x1F000] =	vst v63  }
0x8e: {  	_ =	swait.ge [sflag:s12], $0x4000  }
0x8f: {  	s24 =	simm.s32 $0x100;
	s25 =	simm.s32 $0x800;
	[sflag:s12] =	ssyncset.done $0x0  }
.LBB2_8:
0x90: {  	s26 =	sadd.s32 $0x80, s24  }
0x91: {  	[sflag:s12] =	ssyncadd.s32 $0xFFFFC000;
	s28 =	smov.u32 s25;
	s29 =	sadd.s32 $0x400, s25  }
0x92: {  	[tilespmem:s17], [sflag:$0x3] =	stream.indirect.gather [hbm4b:s4+s15], $0x80, s26, s15, $0xb8;
	[tilespmem:$0x1F000] =	vst v63  }
0x93: {  	p0 =	sne.s32 s25, $0x4800;
	_ =	swait.ge [sflag:s18], $0x4000  }
0x94: {  	[sflag:s18] =	ssyncset.done $0x0  }
0x95: {  	s25 =	sadd.s32 $0x1400, s24;
	[sflag:s18] =	ssyncadd.s32 $0xFFFFC000  }
0x96: {  	[spmem:s1] =	stream.indirect.scatter.add.f32 [tilespmem:s16], [sflag:$0x4], $0x80, s25, s15, $0xb8;
	[tilespmem:$0x1F000] =	vst v63  }
0x97: {  	_ =	swait.ge [sflag:s12], $0x4000  }
0x98: {  	[sflag:s12] =	ssyncset.done $0x0  }
0x99: {  	s25 =	sadd.s32 $0x100, s24;
	[sflag:s12] =	ssyncadd.s32 $0xFFFFC000  }
0x9a: {  	[tilespmem:s16], [sflag:$0x2] =	stream.indirect.gather [hbm4b:s4+s15], $0x80, s25, s15, $0xb8;
	[tilespmem:$0x1F000] =	vst v63  }
0x9b: {  	_ =	swait.ge [sflag:s19], $0x4000  }
.Ltmp3:
0x9c: {  	[sflag:s19] =	ssyncset.done $0x0;
	(pc) =	sbr.rel @p0 .LBB2_8-.Ltmp3, $4  }
0x9d: {  	s24 =	sadd.s32 $0x1480, s24;
	[sflag:s19] =	ssyncadd.s32 $0xFFFFC000  }
0x9e: {  	[spmem:s1] =	stream.indirect.scatter.add.f32 [tilespmem:s17], [sflag:$0x4], $0x80, s24, s15, $0xb8;
	[tilespmem:$0x1F000] =	vst v63  }
0x9f: {  	_ =	swait.ge [sflag:s12], $0x4000  }
0xa0: {  	s25 =	smov.u32 s29;
	s24 =	sshra.s32 s28, $0x2;
	[sflag:s12] =	ssyncset.done $0x0  }
0xa1: {  	s25 =	sadd.s32 $0x80, s24;
	[sflag:s12] =	ssyncadd.s32 $0xFFFFC000  }
0xa2: {  	[tilespmem:s17], [sflag:$0x3] =	stream.indirect.gather [hbm4b:s4+s15], $0x80, s25, s15, $0xb8;
	[tilespmem:$0x1F000] =	vst v63  }
0xa3: {  	_ =	swait.ge [sflag:s18], $0x4000  }
0xa4: {  	[sflag:s18] =	ssyncset.done $0x0  }
0xa5: {  	s26 =	sadd.s32 $0x1400, s24;
	[sflag:s18] =	ssyncadd.s32 $0xFFFFC000  }
0xa6: {  	[spmem:s1] =	stream.indirect.scatter.add.f32 [tilespmem:s16], [sflag:$0x4], $0x80, s26, s15, $0xb8;
	[tilespmem:$0x1F000] =	vst v63  }
0xa7: {  	_ =	swait.ge [sflag:s12], $0x4000  }
0xa8: {  	[sflag:s12] =	ssyncset.done $0x0  }
0xa9: {  	s28 =	sadd.s32 $0x100, s24;
	[sflag:s12] =	ssyncadd.s32 $0xFFFFC000  }
0xaa: {  	[tilespmem:s16], [sflag:$0x2] =	stream.indirect.gather [hbm4b:s4+s15], $0x80, s28, s15, $0xb8;
	[tilespmem:$0x1F000] =	vst v63  }
0xab: {  	_ =	swait.ge [sflag:s19], $0x4000  }
0xac: {  	[sflag:s19] =	ssyncset.done $0x0  }
0xad: {  	s29 =	sadd.s32 $0x1480, s24;
	[sflag:s19] =	ssyncadd.s32 $0xFFFFC000  }
0xae: {  	[spmem:s1] =	stream.indirect.scatter.add.f32 [tilespmem:s17], [sflag:$0x4], $0x80, s29, s15, $0xb8;
	[tilespmem:$0x1F000] =	vst v63  }
0xaf: {  	_ =	swait.ge [sflag:s12], $0x4000  }
0xb0: {  	[sflag:s12] =	ssyncset.done $0x0  }
0xb1: {  	[sflag:s12] =	ssyncadd.s32 $0xFFFFC000  }
0xb2: {  	[tilespmem:s17], [sflag:$0x3] =	stream.indirect.gather [hbm4b:s4+s15], $0x80, s20, s15, $0xb8;
	[tilespmem:$0x1F000] =	vst v63  }
0xb3: {  	_ =	swait.ge [sflag:s18], $0x4000  }
0xb4: {  	[sflag:s18] =	ssyncset.done $0x0  }
0xb5: {  	[sflag:s18] =	ssyncadd.s32 $0xFFFFC000  }
0xb6: {  	[spmem:s1] =	stream.indirect.scatter.add.f32 [tilespmem:s16], [sflag:$0x4], $0x80, s21, s15, $0xb8;
	[tilespmem:$0x1F000] =	vst v63  }
0xb7: {  	_ =	swait.ge [sflag:s12], $0x4000  }
0xb8: {  	[sflag:s12] =	ssyncset.done $0x0  }
0xb9: {  	[sflag:s12] =	ssyncadd.s32 $0xFFFFC000  }
0xba: {  	_ =	swait.ge [sflag:s19], $0x4000  }
0xbb: {  	[sflag:s19] =	ssyncset.done $0x0  }
0xbc: {  	[sflag:s19] =	ssyncadd.s32 $0xFFFFC000  }
0xbd: {  	[spmem:s1] =	stream.indirect.scatter.add.f32 [tilespmem:s17], [sflag:$0x4], $0x80, s22, s15, $0xb8;
	[tilespmem:$0x1F000] =	vst v63  }
0xbe: {  	_ =	swait.ge [sflag:s12], $0x4000  }
0xbf: {  	s30 =	sshll.u32 s3, $0x6;
	s2 =	sadd.s32 $0x1, s2;
	[sflag:s12] =	ssyncset.done $0x0  }
0xc0: {  	s31 =	sshrl.u32 s5, $0x3;
	p0 =	sne.s32 s2, s6;
	[sflag:s12] =	ssyncadd.s32 $0xFFFFC000  }
.Ltmp4:
0xc1: {  	s24 =	sor.u32 $0x1C04, s30;
	[bflag:$0x0] =	sbarrier.arrive $0xFFFF;
	(pc) =	sbr.rel @p0 .LBB2_1-.Ltmp4, $4  }
0xc2: {  	[hbm:s23], [sflag:s24] =	dma.local [spmem:s31], $0x2800  }
0xc3: {  	_ =	swait.ge [sflag:s12], $0x2800  }
0xc4: {  	[sflag:s12] =	ssyncset.done $0x0  }
0xc5: {  	[sflag:s12] =	ssyncadd.s32 $0xFFFFD800  }
0xc6: {  	_ =	sfence.sel $0x180000  }
0xc7: {  	[bflag:$0x0] =	sbarrier.arrive $0xFFFF  }
0xc8: {  	p0 =	sne.s32 s3, $0x0;
	_ =	strace $0x9000004D  }
0xc9: {  	s0 =	sadd.s32 @!p0 $0x100000, s0;
	[bflag:$0x2] =	sbarrier.arrive $0xFFFF  }
0xca: {  	[sflag:s0] =	ssyncadd.tile.s32 @!p0 $0x1;
	_ =	shalt  }
.Lfunc_end2:
_tile_overlayer_lowered:
.L_overlay_start_2:
0xcb: {  	(tag) =	ssettag $0x2  }
0xcc: {  	s0 =	rddreg [dreg:$0x0];
	s2 =	stileid.u32  }
0xcd: {  	s1 =	rddreg [dreg:$0x1];
	p0 =	sne.s32 s2, $0x0  }
0xce: {  	s3 =	rddreg [dreg:$0x2];
	[bflag:$0x3] =	sbarrier.arrive $0xFFFF;
	s2 =	simm.s32 @!p0 $0x1C04  }
0xcf: {  	[timem:s3], [sflag:s2] =	dma.local @!p0 [hbm:s0], s1  }
0xd0: {  	s0 =	simm.s32 @!p0 $0x4  }
0xd1: {  	_ =	swait.ge @!p0 [sflag:s0], s1  }
0xd2: {  	s1 =	ssub.s32 @!p0 $0x0, s1;
	[sflag:s0] =	ssyncset.done @!p0 $0x0  }
0xd3: {  	[sflag:s0] =	ssyncadd.s32 @!p0 s1  }
0xd4: {  	[bflag:$0x3] =	sbarrier.arrive $0xFFFF  }
0xd5: {  	_ =	shalt  }

// kernel: kernel.9.cloned.1.call-start
scs
__scs_entry_jumppad:
0x0: {  	(pc) =	sbr.rel $0x88, $3  }
0x1: {  	(tag) =	ssettag $0x0;
	lr =	simm.s32 $0x1  }
0x2: {  	[smem:$0x3F98] =	sst lr;
	_ =	strace $0xD0000000  }
0x3: {  	_ = 	snop  }
0x4: {  	_ = 	snop  }
0x5: {  	_ = 	snop  }
0x6: {  	_ = 	snop  }
0x7: {  	_ = 	snop  }
__scs_overlays_trampoline_lowered:
0x8: {  	[smem:$0x3FA7] =	sst s0  }
0x9: {  	[smem:$0x3FA8] =	sst s1  }
0xa: {  	[smem:$0x3FA9] =	sst s2  }
0xb: {  	[smem:$0x3FAA] =	sst s3  }
0xc: {  	[smem:$0x3FAB] =	sst s4  }
0xd: {  	[smem:$0x3FAC] =	sst s5  }
0xe: {  	[smem:$0x3FAD] =	sst s6  }
0xf: {  	[smem:$0x3FAE] =	sst s7  }
0x10: {  	[smem:$0x3FAF] =	sst s8  }
0x11: {  	[smem:$0x3FB0] =	sst s9;
	s0 =	simm.s32 @!p0 $0x0  }
0x12: {  	s1 =	sld [smem:$0x3F96];
	s0 =	simm.s32 @p0 $0x1  }
0x13: {  	[smem:$0x3FB1] =	sst s0;
	s0 =	simm.s32 @!p1 $0x0  }
0x14: {  	s2 =	sld [smem:$0x3F95];
	s0 =	simm.s32 @p1 $0x1  }
0x15: {  	[smem:$0x3FB2] =	sst s0;
	s0 =	simm.s32 @!p2 $0x0  }
0x16: {  	s3 =	sld [smem:$0x3FDB];
	s0 =	simm.s32 @p2 $0x1  }
0x17: {  	s4 =	simm.s32 $0x1BF5;
	[smem:$0x3FB4] =	sst s0  }
0x18: {  	s0 =	sld [smem:$0x3F97];
	_ =	swait.ge [sflag:s4], $0x0  }
0x19: {  	s7 =	sld [smem:$0x3F98]  }
0x1a: {  	s8 =	sadd.s32 $0xFFFFE003, lr  }
0x1b: {  	s9 =	sadd.s32 $0xFFFFFEF7, lr;
	s5 =	simm.s32 $0xFFFFFFFF;
	p2 =	slt.u32 s8, $0xFFFFF086  }
0x1c: {  	p1 =	slt.u32 s9, $0xF7A;
	s5 =	simm.s32 @!p2 $0x0  }
0x1d: {  	s5 =	simm.s32 @p1 $0x1;
	p0 =	seq.s32 s7, s2  }
0x1e: {  	s7 =	smul.u32 @!p0 $0xF7A, s2;
	p2 =	seq.s32 @!p0 s5, $0x0  }
0x1f: {  	s9 =	smul.u32 $0xF7A, s1;
	s8 =	simm.s32 @!p0 $0x1BF5;
	p2 =	por !p2, p0  }
0x20: {  	[sflag:s8] =	ssyncset.s32 @!p0 $0xFFFFF086;
	s6 =	sadd.s32 @!p0 s3, s7;
	s7 =	simm.s32 @!p0 $0x108  }
0x21: {  	s3 =	sadd.s32 s3, s9;
	s6 =	sadd.s32 @!p0 $0x88, s6;
	s7 =	simm.s32 @p2 $0x1082  }
0x22: {  	[simem:s7], [sflag:s8] =	dma.local @!p0 [hbm:s6], $0xF7A  }
0x23: {  	s9 =	sor.u32 $0xD0000000, s2;
	s6 =	simm.s32 $0x108;
	_ =	swait.ge @!p0 [sflag:s8], $0x0  }
0x24: {  	s3 =	sadd.s32 $0x88, s3;
	s6 =	simm.s32 @!p1 $0x1082;
	[sflag:s4] =	ssyncset.s32 $0xFFFFF086  }
0x25: {  	[simem:s6], [sflag:s4] =	dma.local [hbm:s3], $0xF7A  }
0x26: {  	[smem:$0x3F98] =	sst s1;
	(tag) =	ssettag s2;
	_ =	strace s9  }
0x27: {  	s1 =	sld [smem:$0x3FA8]  }
0x28: {  	s2 =	sld [smem:$0x3FA9]  }
0x29: {  	s4 =	sld [smem:$0x3FAB]  }
0x2a: {  	p0 =	seq.s32 s5, $0x0;
	s5 =	sld [smem:$0x3FAC]  }
0x2b: {  	s6 =	sld [smem:$0x3FAD]  }
0x2c: {  	s7 =	sld [smem:$0x3FAE]  }
0x2d: {  	s3 =	simm.s32 $0x108;
	s8 =	sld [smem:$0x3FAF]  }
0x2e: {  	s3 =	simm.s32 @!p0 $0x1082;
	s9 =	sld [smem:$0x3FB0]  }
0x2f: {  	lr =	sadd.s32 s0, s3;
	s0 =	sld [smem:$0x3FA7]  }
0x30: {  	s3 =	sld [smem:$0x3FAA]  }
0x31: {  	[smem:$0x3FB3] =	sst s10  }
0x32: {  	s10 =	sld [smem:$0x3FB1];
	_ =	sdelay $0x3  }
0x33: {  	p0 =	seq.s32 s10, $0x1;
	s10 =	sld [smem:$0x3FB3];
	_ =	sdelay $0x3  }
0x34: {  	[smem:$0x3FB3] =	sst s10  }
0x35: {  	s10 =	sld [smem:$0x3FB2];
	_ =	sdelay $0x3  }
0x36: {  	p1 =	seq.s32 s10, $0x1;
	s10 =	sld [smem:$0x3FB3];
	_ =	sdelay $0x3  }
0x37: {  	[smem:$0x3FB3] =	sst s10  }
0x38: {  	s10 =	sld [smem:$0x3FB4]  }
0x39: {  	_ = 	snop;
	(pc) =	sbr.ind lr, $3  }
0x3a: {  	_ = 	snop  }
0x3b: {  	_ = 	snop  }
0x3c: {  	p2 =	seq.s32 s10, $0x1;
	s10 =	sld [smem:$0x3FB3]  }
0x3d: {  	_ =	shalt  }
0x3e: {  	_ =	shalt  }
0x3f: {  	_ =	shalt  }
0x40: {  	_ =	shalt  }
0x41: {  	_ =	shalt  }
0x42: {  	_ =	shalt  }
0x43: {  	_ =	shalt  }
0x44: {  	_ =	shalt  }
0x45: {  	_ =	shalt  }
0x46: {  	_ =	shalt  }
0x47: {  	_ =	shalt  }
0x48: {  	_ =	shalt  }
0x49: {  	_ =	shalt  }
0x4a: {  	_ =	shalt  }
0x4b: {  	_ =	shalt  }
0x4c: {  	_ =	shalt  }
0x4d: {  	_ =	shalt  }
0x4e: {  	_ =	shalt  }
0x4f: {  	_ =	shalt  }
0x50: {  	_ =	shalt  }
0x51: {  	_ =	shalt  }
0x52: {  	_ =	shalt  }
0x53: {  	_ =	shalt  }
0x54: {  	_ =	shalt  }
0x55: {  	_ =	shalt  }
0x56: {  	_ =	shalt  }
0x57: {  	_ =	shalt  }
0x58: {  	_ =	shalt  }
0x59: {  	_ =	shalt  }
0x5a: {  	_ =	shalt  }
0x5b: {  	_ =	shalt  }
0x5c: {  	_ =	shalt  }
0x5d: {  	_ =	shalt  }
0x5e: {  	_ =	shalt  }
0x5f: {  	_ =	shalt  }
0x60: {  	_ =	shalt  }
0x61: {  	_ =	shalt  }
0x62: {  	_ =	shalt  }
0x63: {  	_ =	shalt  }
0x64: {  	_ =	shalt  }
0x65: {  	_ =	shalt  }
0x66: {  	_ =	shalt  }
0x67: {  	_ =	shalt  }
0x68: {  	_ =	shalt  }
0x69: {  	_ =	shalt  }
0x6a: {  	_ =	shalt  }
0x6b: {  	_ =	shalt  }
0x6c: {  	_ =	shalt  }
0x6d: {  	_ =	shalt  }
0x6e: {  	_ =	shalt  }
0x6f: {  	_ =	shalt  }
0x70: {  	_ =	shalt  }
0x71: {  	_ =	shalt  }
0x72: {  	_ =	shalt  }
0x73: {  	_ =	shalt  }
0x74: {  	_ =	shalt  }
0x75: {  	_ =	shalt  }
0x76: {  	_ =	shalt  }
0x77: {  	_ =	shalt  }
0x78: {  	_ =	shalt  }
0x79: {  	_ =	shalt  }
0x7a: {  	_ =	shalt  }
0x7b: {  	_ =	shalt  }
0x7c: {  	_ =	shalt  }
0x7d: {  	_ =	shalt  }
0x7e: {  	_ =	shalt  }
0x7f: {  	_ =	shalt  }
0x80: {  	_ =	shalt  }
0x81: {  	_ =	shalt  }
0x82: {  	_ =	shalt  }
0x83: {  	_ =	shalt  }
0x84: {  	_ =	shalt  }
0x85: {  	_ =	shalt  }
0x86: {  	_ =	shalt  }
0x87: {  	_ =	shalt  }
.Lfunc_end0:
.L_simem_size_0:
called_computation_lowered:
.L_overlay_start_0:
0x88: {  	s2 =	sld [smem:$0x3FD9]  }
0x89: {  	s3 =	sld [smem:$0x3FFE];
	_ =	sdelay $0x1  }
0x8a: {  	s1 =	srdreg.scid  }
0x8b: {  	s0 =	sand.u32 $0x1, s1  }
0x8c: {  	s16 =	sshll.u32 s0, $0xA;
	s2 =	sadd.s32 s3, s2  }
0x8d: {  	s2 =	sadd.s32 s2, s16  }
0x8e: {  	[smem:$0x3FBF] =	sst s2  }
0x8f: {  	_ = 	snop  }
0x90: {  	(tm) =	ssettm $0x1  }
0x91: {  	s17 =	sld [smem:$0x3FFB];
	_ =	sdelay $0x3  }
0x92: {  	_ =	strace s17  }
0x93: {  	s2 =	sld [smem:$0x3FFC];
	_ =	sdelay $0x3  }
0x94: {  	_ =	strace s2  }
0x95: {  	s2 =	sld [smem:$0x3FFD];
	_ =	sdelay $0x3  }
0x96: {  	_ =	strace s2  }
0x97: {  	_ =	strace $0x8FFFFFFF  }
0x98: {  	s18 =	sld [smem:$0x3FDB];
	_ =	sdelay $0x1  }
0x99: {  	s19 =	simm.s32 $_scs_section_size  }
0x9a: {  	s4 =	simm.s32 $_size__tile_overlayer_lowered;
	s5 =	simm.s32 $_tile_overlayer_lowered  }
0x9b: {  	s22 =	simm.s32 $0x1BFF;
	s21 =	sshll.u32 s5, $0x1;
	s2 =	sadd.s32 s19, s18  }
0x9c: {  	s6 =	simm.s32 $0x0;
	s20 =	sshll.u32 s4, $0x1;
	s4 =	sadd.s32 s21, s2  }
0x9d: {  	[timem:s6], [sflag:s22] =	dma.local [hbm:s4], s20  }
0x9e: {  	_ =	swait.ge [sflag:s22], s20  }
0x9f: {  	s3 =	ssub.s32 $0x0, s20;
	[sflag:s22] =	ssyncset.done $0x0  }
0xa0: {  	[sflag:s22] =	ssyncadd.s32 s3;
	_ =	sdelay $0x1  }
0xa1: {  	s23 =	simm.s32 $0x1B8B  }
0xa2: {  	_ =	swait.ge [sflag:s23], $0x1  }
0xa3: {  	[sflag:s23] =	ssyncset.done $0x0  }
0xa4: {  	s25 =	simm.s32 $0x1B8E;
	s24 =	sld [smem:$0x3FFE];
	[sflag:s23] =	ssyncadd.s32 $0xFFFFFFFF  }
0xa5: {  	s26 =	simm.s32 $execute0_lowered;
	[smem:$0x3FD2] =	sst s25  }
0xa6: {  	s4 =	sshll.u32 s26, $0x1;
	_ =	strace $0x80000046;
	[dreg:$0x1] =	wrdreg $0xFFFFFFFF  }
0xa7: {  	s28 =	simm.s32 $_size_execute0_lowered;
	s2 =	sadd.s32 s2, s4;
	[dreg:$0x0] =	wrdreg $0x0  }
0xa8: {  	s4 =	sshll.u32 s28, $0x1;
	[dreg:$0x2] =	wrdreg s2  }
0xa9: {  	[dreg:$0x3] =	wrdreg s4  }
0xaa: {  	[dreg:$0x4] =	wrdreg $0xC0  }
0xab: {  	_ =	task [dreg:s6], $0x5FFFF  }
0xac: {  	[dreg:$0x1] =	wrdreg $0xFFFFFFFF  }
0xad: {  	[dreg:$0x0] =	wrdreg $0x60  }
0xae: {  	[dreg:$0x2] =	wrdreg s24  }
0xaf: {  	[dreg:$0x3] =	wrdreg $0x70000  }
0xb0: {  	[dreg:$0x4] =	wrdreg $0x9  }
0xb1: {  	_ =	task.clear_ibuf [dreg:s6], $0x5FFFF;
	_ =	strace $0x90000046  }
0xb2: {  	s29 =	simm.s32 $0x9;
	_ =	strace $0x80000048  }
0xb3: {  	_ =	swait.ge [sflag:s29], $0x1  }
0xb4: {  	[sflag:s29] =	ssyncadd.s32 $0xFFFFFFFF  }
0xb5: {  	_ =	strace $0x90000048  }
0xb6: {  	_ =	sfence  }
0xb7: {  	s30 =	sld [smem:$0x0];
	_ =	sdelay $0x2  }
0xb8: {  	s31 =	sshll.u32 s1, $0xD;
	s1 =	sshrl.u32 s1, $0x2  }
0xb9: {  	s3 =	sand.u32 $0x4000, s31;
	s1 =	sadd.s32 s1, s30  }
0xba: {  	s0 =	sor.u32 s3, s0;
	s1 =	sshll.u32 s1, $0x11  }
0xbb: {  	s0 =	sor.u32 s1, s0  }
0xbc: {  	s0 =	sadd.s32 $0x8F2B, s0  }
0xbd: {  	[sflag:s0] =	ssyncadd.remote.s32 $0x1  }
0xbe: {  	_ =	sfence.sel $0xFFFF  }
0xbf: {  	[dreg:$0x0] =	wrdreg $0xFFFFFFFF;
	(pc) =	sbr.abs _section_cstart, $3  }
0xc0: {  	[dreg:$0x1] =	wrdreg $0xFFFFFFFF  }
0xc1: {  	_ =	task.clear_ibuf [dreg:s6], $0x2FFFF;
	_ =	strace $0x9FFFFFFF  }
0xc2: {  	(tm) =	ssettm $0x7FFFFFFF  }
0xc3: {  	_ =	shalt  }
tec
execute0_lowered:
.L_overlay_start_1:
0x0: {  	(tag) =	ssettag $0x1  }
0x1: {  	s1 =	srdreg.scid  }
0x2: {  	s0 =	stileid.u32;
	s4 =	rddreg [dreg:$0x0]  }
0x3: {  	s2 =	rddreg [dreg:$0x1];
	s3 =	simm.s32 $0x0;
	s10 =	simm.s32 $0x80  }
0x4: {  	s5 =	sand.u32 $0x1, s1;
	s1 =	rddreg [dreg:$0x2];
	s7 =	smul.u32 $0x50000, s0  }
0x5: {  	s31 =	sshll.u32 s0, $0x1;
	[smem:$0x7FF] =	sst s3;
	s12 =	smul.u32 $0x2800, s0  }
0x6: {  	s13 =	sshll.u32 s0, $0x6;
	s6 =	sor.u32 s5, s31;
	s8 =	smul.u32 $0x28000, s5  }
0x7: {  	_ =	strace $0x80000047;
	s5 =	ssub.s32 $0x2, s5;
	s6 =	smul.u32 $0x500, s6  }
0x8: {  	s13 =	sor.u32 $0x1C02, s13;
	s9 =	sshrl.u32 s5, $0x1;
	s7 =	sshrl.u32 s7, $0x2  }
0x9: {  	s8 =	sadd.s32 s8, s4;
	s9 =	ssub.s32 s5, s9;
	s6 =	sadd.s32 s6, s4  }
0xa: {  	s4 =	sadd.s32 s7, s2;
	s11 =	sadd.s32 $0x17A00, s8;
	s7 =	simm.s32 $0x6800  }
0xb: {  	s8 =	simm.s32 $0x2;
	s5 =	sadd.s32 $0xDA00, s6;
	s6 =	smax.u32 s9, $0x1  }
0xc: {  	v0 =	vimm.f32 $0.0e+00;
	v1 =	vimm.f32 $1.000000000e+00;
	s9 =	simm.s32 $0x1;
	s11 =	sadd.s32 s12, s11;
	s12 =	simm.s32 $0x2800  }
.LBB2_1:
0xd: {  	s14 =	simm.s32 $0x0;
	s15 =	simm.s32 $0x200  }
.LBB2_2:
0xe: {  	p0 =	sne.s32 s15, $0x1E00;
	[tilespmem:s14+$0x6870] =	vst v0  }
0xf: {  	[tilespmem:s14+$0x6800] =	vst v0  }
0x10: {  	[tilespmem:s14+$0x6810] =	vst v0  }
.Ltmp0:
0x11: {  	[tilespmem:s14+$0x6820] =	vst v0;
	(pc) =	sbr.rel @p0 .LBB2_2-.Ltmp0, $4  }
0x12: {  	[tilespmem:s14+$0x6830] =	vst v0  }
0x13: {  	[tilespmem:s14+$0x6840] =	vst v0  }
0x14: {  	[tilespmem:s14+$0x6850] =	vst v0  }
0x15: {  	[tilespmem:s14+$0x6860] =	vst v0;
	s14 =	sshra.s32 s15, $0x2;
	s15 =	sadd.s32 $0x200, s15  }
0x16: {  	[tilespmem:s14+$0x6870] =	vst v0  }
0x17: {  	[tilespmem:s14+$0x6800] =	vst v0  }
0x18: {  	[tilespmem:s14+$0x6810] =	vst v0  }
0x19: {  	[tilespmem:s14+$0x6820] =	vst v0  }
0x1a: {  	[tilespmem:s14+$0x6830] =	vst v0  }
0x1b: {  	[tilespmem:s14+$0x6840] =	vst v0  }
0x1c: {  	[tilespmem:s14+$0x6850] =	vst v0  }
0x1d: {  	[tilespmem:s14+$0x6860] =	vst v0;
	s14 =	simm.s32 $0x0;
	s15 =	simm.s32 $0x200  }
.LBB2_4:
0x1e: {  	p0 =	sne.s32 s15, $0xFE00;
	[tilespmem:s14+$0x2870] =	vst v1  }
0x1f: {  	[tilespmem:s14+$0x2800] =	vst v1  }
0x20: {  	[tilespmem:s14+$0x2810] =	vst v1  }
.Ltmp1:
0x21: {  	[tilespmem:s14+$0x2820] =	vst v1;
	(pc) =	sbr.rel @p0 .LBB2_4-.Ltmp1, $4  }
0x22: {  	[tilespmem:s14+$0x2830] =	vst v1  }
0x23: {  	[tilespmem:s14+$0x2840] =	vst v1  }
0x24: {  	[tilespmem:s14+$0x2850] =	vst v1  }
0x25: {  	[tilespmem:s14+$0x2860] =	vst v1;
	s14 =	sshra.s32 s15, $0x2;
	s15 =	sadd.s32 $0x200, s15  }
0x26: {  	[tilespmem:s14+$0x2870] =	vst v1  }
0x27: {  	[tilespmem:s14+$0x2800] =	vst v1  }
0x28: {  	[tilespmem:s14+$0x2810] =	vst v1  }
0x29: {  	[tilespmem:s14+$0x2820] =	vst v1  }
0x2a: {  	[tilespmem:s14+$0x2830] =	vst v1  }
0x2b: {  	[tilespmem:s14+$0x2840] =	vst v1  }
0x2c: {  	[tilespmem:s14+$0x2850] =	vst v1  }
0x2d: {  	[tilespmem:s14+$0x2860] =	vst v1;
	s31 =	sadd.s32 $0x0, s4  }
0x2e: {  	[spmem:s31] =	stream.linear.scatter [tilespmem:s7], [sflag:$0x2], $0x800, $0x38;
	[tilespmem:$0x1B000] =	vst v63  }
0x2f: {  	s14 =	simm.s32 $0x2000;
	_ =	swait.ge [sflag:s8], $0x800  }
.LBB2_6:
0x30: {  	s15 =	sshra.s32 s14, $0x2;
	[sflag:s8] =	ssyncset.done $0x0;
	p0 =	sne.s32 s14, $0x4E000  }
.Ltmp2:
0x31: {  	s15 =	sadd.s32 s15, s4;
	[sflag:s8] =	ssyncadd.s32 $0xFFFFF800;
	(pc) =	sbr.rel @p0 .LBB2_6-.Ltmp2, $3  }
0x32: {  	[spmem:s15] =	stream.linear.scatter [tilespmem:s7], [sflag:$0x2], $0x800, $0x38;
	[tilespmem:$0x1B000] =	vst v63  }
0x33: {  	s14 =	sadd.s32 $0x2000, s14;
	_ =	sdelay $0x1  }
0x34: {  	_ =	swait.ge [sflag:s8], $0x800  }
0x35: {  	[sflag:s8] =	ssyncset.done $0x0  }
0x36: {  	s14 =	simm.s32 $0x0;
	[sflag:s8] =	ssyncadd.s32 $0xFFFFF800  }
0x37: {  	[tilespmem:s14], [sflag:$0x1] =	stream.linear.gather [hbm4b:s5+s14], $0x2800, $0x38;
	[tilespmem:$0x1B000] =	vst v63  }
0x38: {  	_ =	swait.ge [sflag:s9], $0x2800  }
0x39: {  	[sflag:s9] =	ssyncset.done $0x0  }
0x3a: {  	[sflag:s9] =	ssyncadd.s32 $0xFFFFD800  }
0x3b: {  	s23 =	simm.s32 $0x0;
	[bflag:$0x0] =	sbarrier.arrive $0xFFFF  }
0x3c: {  	[spmem:s2] =	stream.indirect.scatter.add.f32 [tilespmem:s12], [sflag:$0x1], $0x80, s23, s10, $0xb8;
	[tilespmem:$0x1B000] =	vst v63  }
0x3d: {  	s24 =	simm.s32 $0x80  }
0x3e: {  	[spmem:s2] =	stream.indirect.scatter.add.f32 [tilespmem:s12], [sflag:$0x1], $0x80, s24, s10, $0xb8;
	[tilespmem:$0x1B000] =	vst v63  }
0x3f: {  	s25 =	simm.s32 $0x100  }
0x40: {  	[spmem:s2] =	stream.indirect.scatter.add.f32 [tilespmem:s12], [sflag:$0x1], $0x80, s25, s10, $0xb8;
	[tilespmem:$0x1B000] =	vst v63  }
0x41: {  	s26 =	simm.s32 $0x180  }
0x42: {  	[spmem:s2] =	stream.indirect.scatter.add.f32 [tilespmem:s12], [sflag:$0x1], $0x80, s26, s10, $0xb8;
	[tilespmem:$0x1B000] =	vst v63  }
0x43: {  	s28 =	simm.s32 $0x200  }
0x44: {  	[spmem:s2] =	stream.indirect.scatter.add.f32 [tilespmem:s12], [sflag:$0x1], $0x80, s28, s10, $0xb8;
	[tilespmem:$0x1B000] =	vst v63  }
0x45: {  	s29 =	simm.s32 $0x280  }
0x46: {  	[spmem:s2] =	stream.indirect.scatter.add.f32 [tilespmem:s12], [sflag:$0x1], $0x80, s29, s10, $0xb8;
	[tilespmem:$0x1B000] =	vst v63  }
0x47: {  	s30 =	simm.s32 $0x300  }
0x48: {  	[spmem:s2] =	stream.indirect.scatter.add.f32 [tilespmem:s12], [sflag:$0x1], $0x80, s30, s10, $0xb8;
	[tilespmem:$0x1B000] =	vst v63  }
0x49: {  	s31 =	simm.s32 $0x380  }
0x4a: {  	[spmem:s2] =	stream.indirect.scatter.add.f32 [tilespmem:s12], [sflag:$0x1], $0x80, s31, s10, $0xb8;
	[tilespmem:$0x1B000] =	vst v63  }
0x4b: {  	_ =	swait.ge [sflag:s9], $0x4000  }
0x4c: {  	[sflag:s9] =	ssyncset.done $0x0  }
0x4d: {  	[sflag:s9] =	ssyncadd.s32 $0xFFFFC000  }
0x4e: {  	_ =	swait.ge [sflag:s9], $0x4000  }
0x4f: {  	[sflag:s9] =	ssyncset.done $0x0  }
0x50: {  	[sflag:s9] =	ssyncadd.s32 $0xFFFFC000  }
0x51: {  	_ =	swait.ge [sflag:s9], $0x4000  }
0x52: {  	[sflag:s9] =	ssyncset.done $0x0  }
0x53: {  	[sflag:s9] =	ssyncadd.s32 $0xFFFFC000  }
0x54: {  	_ =	swait.ge [sflag:s9], $0x4000  }
0x55: {  	[sflag:s9] =	ssyncset.done $0x0  }
0x56: {  	[sflag:s9] =	ssyncadd.s32 $0xFFFFC000  }
0x57: {  	_ =	swait.ge [sflag:s9], $0x4000  }
0x58: {  	[sflag:s9] =	ssyncset.done $0x0  }
0x59: {  	[sflag:s9] =	ssyncadd.s32 $0xFFFFC000  }
0x5a: {  	_ =	swait.ge [sflag:s9], $0x4000  }
0x5b: {  	[sflag:s9] =	ssyncset.done $0x0  }
0x5c: {  	[sflag:s9] =	ssyncadd.s32 $0xFFFFC000  }
0x5d: {  	_ =	swait.ge [sflag:s9], $0x4000  }
0x5e: {  	[sflag:s9] =	ssyncset.done $0x0  }
0x5f: {  	[sflag:s9] =	ssyncadd.s32 $0xFFFFC000  }
0x60: {  	_ =	swait.ge [sflag:s9], $0x4000  }
0x61: {  	s16 =	simm.s32 $0x2000;
	s14 =	simm.s32 $0x1000;
	[sflag:s9] =	ssyncset.done $0x0  }
.LBB2_8:
0x62: {  	s17 =	sshra.s32 s14, $0x2  }
0x63: {  	[sflag:s9] =	ssyncadd.s32 $0xFFFFC000;
	s14 =	smov.u32 s16;
	s15 =	sadd.s32 $0x1000, s16  }
0x64: {  	[spmem:s2] =	stream.indirect.scatter.add.f32 [tilespmem:s12], [sflag:$0x1], $0x80, s17, s10, $0xb8;
	[tilespmem:$0x1B000] =	vst v63  }
0x65: {  	p0 =	sne.s32 s16, $0x9000;
	s16 =	sadd.s32 $0x80, s17  }
0x66: {  	[spmem:s2] =	stream.indirect.scatter.add.f32 [tilespmem:s12], [sflag:$0x1], $0x80, s16, s10, $0xb8;
	[tilespmem:$0x1B000] =	vst v63  }
0x67: {  	s16 =	sadd.s32 $0x100, s17  }
0x68: {  	[spmem:s2] =	stream.indirect.scatter.add.f32 [tilespmem:s12], [sflag:$0x1], $0x80, s16, s10, $0xb8;
	[tilespmem:$0x1B000] =	vst v63  }
0x69: {  	s16 =	sadd.s32 $0x180, s17  }
0x6a: {  	[spmem:s2] =	stream.indirect.scatter.add.f32 [tilespmem:s12], [sflag:$0x1], $0x80, s16, s10, $0xb8;
	[tilespmem:$0x1B000] =	vst v63  }
0x6b: {  	s16 =	sadd.s32 $0x200, s17  }
0x6c: {  	[spmem:s2] =	stream.indirect.scatter.add.f32 [tilespmem:s12], [sflag:$0x1], $0x80, s16, s10, $0xb8;
	[tilespmem:$0x1B000] =	vst v63  }
0x6d: {  	s16 =	sadd.s32 $0x280, s17  }
0x6e: {  	[spmem:s2] =	stream.indirect.scatter.add.f32 [tilespmem:s12], [sflag:$0x1], $0x80, s16, s10, $0xb8;
	[tilespmem:$0x1B000] =	vst v63  }
0x6f: {  	s16 =	sadd.s32 $0x300, s17  }
0x70: {  	[spmem:s2] =	stream.indirect.scatter.add.f32 [tilespmem:s12], [sflag:$0x1], $0x80, s16, s10, $0xb8;
	[tilespmem:$0x1B000] =	vst v63  }
0x71: {  	s16 =	sadd.s32 $0x380, s17  }
0x72: {  	[spmem:s2] =	stream.indirect.scatter.add.f32 [tilespmem:s12], [sflag:$0x1], $0x80, s16, s10, $0xb8;
	[tilespmem:$0x1B000] =	vst v63  }
0x73: {  	_ =	swait.ge [sflag:s9], $0x4000  }
0x74: {  	[sflag:s9] =	ssyncset.done $0x0  }
0x75: {  	[sflag:s9] =	ssyncadd.s32 $0xFFFFC000  }
0x76: {  	_ =	swait.ge [sflag:s9], $0x4000  }
0x77: {  	[sflag:s9] =	ssyncset.done $0x0  }
0x78: {  	[sflag:s9] =	ssyncadd.s32 $0xFFFFC000  }
0x79: {  	_ =	swait.ge [sflag:s9], $0x4000  }
0x7a: {  	[sflag:s9] =	ssyncset.done $0x0  }
0x7b: {  	[sflag:s9] =	ssyncadd.s32 $0xFFFFC000  }
0x7c: {  	_ =	swait.ge [sflag:s9], $0x4000  }
0x7d: {  	[sflag:s9] =	ssyncset.done $0x0  }
0x7e: {  	[sflag:s9] =	ssyncadd.s32 $0xFFFFC000  }
0x7f: {  	_ =	swait.ge [sflag:s9], $0x4000  }
0x80: {  	[sflag:s9] =	ssyncset.done $0x0  }
0x81: {  	[sflag:s9] =	ssyncadd.s32 $0xFFFFC000  }
0x82: {  	_ =	swait.ge [sflag:s9], $0x4000  }
0x83: {  	[sflag:s9] =	ssyncset.done $0x0  }
0x84: {  	[sflag:s9] =	ssyncadd.s32 $0xFFFFC000  }
.Ltmp3:
0x85: {  	_ =	swait.ge [sflag:s9], $0x4000;
	(pc) =	sbr.rel @p0 .LBB2_8-.Ltmp3, $4  }
0x86: {  	[sflag:s9] =	ssyncset.done $0x0  }
0x87: {  	[sflag:s9] =	ssyncadd.s32 $0xFFFFC000  }
0x88: {  	_ =	swait.ge [sflag:s9], $0x4000  }
0x89: {  	s16 =	smov.u32 s15;
	[sflag:s9] =	ssyncset.done $0x0  }
0x8a: {  	s14 =	sshra.s32 s14, $0x2;
	[sflag:s9] =	ssyncadd.s32 $0xFFFFC000  }
0x8b: {  	[spmem:s2] =	stream.indirect.scatter.add.f32 [tilespmem:s12], [sflag:$0x1], $0x80, s14, s10, $0xb8;
	[tilespmem:$0x1B000] =	vst v63  }
0x8c: {  	s15 =	sadd.s32 $0x80, s14  }
0x8d: {  	[spmem:s2] =	stream.indirect.scatter.add.f32 [tilespmem:s12], [sflag:$0x1], $0x80, s15, s10, $0xb8;
	[tilespmem:$0x1B000] =	vst v63  }
0x8e: {  	s25 =	sadd.s32 $0x100, s14  }
0x8f: {  	[spmem:s2] =	stream.indirect.scatter.add.f32 [tilespmem:s12], [sflag:$0x1], $0x80, s25, s10, $0xb8;
	[tilespmem:$0x1B000] =	vst v63  }
0x90: {  	s26 =	sadd.s32 $0x180, s14  }
0x91: {  	[spmem:s2] =	stream.indirect.scatter.add.f32 [tilespmem:s12], [sflag:$0x1], $0x80, s26, s10, $0xb8;
	[tilespmem:$0x1B000] =	vst v63  }
0x92: {  	s28 =	sadd.s32 $0x200, s14  }
0x93: {  	[spmem:s2] =	stream.indirect.scatter.add.f32 [tilespmem:s12], [sflag:$0x1], $0x80, s28, s10, $0xb8;
	[tilespmem:$0x1B000] =	vst v63  }
0x94: {  	s29 =	sadd.s32 $0x280, s14  }
0x95: {  	[spmem:s2] =	stream.indirect.scatter.add.f32 [tilespmem:s12], [sflag:$0x1], $0x80, s29, s10, $0xb8;
	[tilespmem:$0x1B000] =	vst v63  }
0x96: {  	s30 =	sadd.s32 $0x300, s14  }
0x97: {  	[spmem:s2] =	stream.indirect.scatter.add.f32 [tilespmem:s12], [sflag:$0x1], $0x80, s30, s10, $0xb8;
	[tilespmem:$0x1B000] =	vst v63  }
0x98: {  	s14 =	sadd.s32 $0x380, s14  }
0x99: {  	[spmem:s2] =	stream.indirect.scatter.add.f32 [tilespmem:s12], [sflag:$0x1], $0x80, s14, s10, $0xb8;
	[tilespmem:$0x1B000] =	vst v63  }
0x9a: {  	_ =	swait.ge [sflag:s9], $0x4000  }
0x9b: {  	[sflag:s9] =	ssyncset.done $0x0  }
0x9c: {  	[sflag:s9] =	ssyncadd.s32 $0xFFFFC000  }
0x9d: {  	_ =	swait.ge [sflag:s9], $0x4000  }
0x9e: {  	[sflag:s9] =	ssyncset.done $0x0  }
0x9f: {  	[sflag:s9] =	ssyncadd.s32 $0xFFFFC000  }
0xa0: {  	_ =	swait.ge [sflag:s9], $0x4000  }
0xa1: {  	[sflag:s9] =	ssyncset.done $0x0  }
0xa2: {  	[sflag:s9] =	ssyncadd.s32 $0xFFFFC000  }
0xa3: {  	_ =	swait.ge [sflag:s9], $0x4000  }
0xa4: {  	[sflag:s9] =	ssyncset.done $0x0  }
0xa5: {  	[sflag:s9] =	ssyncadd.s32 $0xFFFFC000  }
0xa6: {  	_ =	swait.ge [sflag:s9], $0x4000  }
0xa7: {  	[sflag:s9] =	ssyncset.done $0x0  }
0xa8: {  	[sflag:s9] =	ssyncadd.s32 $0xFFFFC000  }
0xa9: {  	_ =	swait.ge [sflag:s9], $0x4000  }
0xaa: {  	[sflag:s9] =	ssyncset.done $0x0  }
0xab: {  	[sflag:s9] =	ssyncadd.s32 $0xFFFFC000  }
0xac: {  	_ =	swait.ge [sflag:s9], $0x4000  }
0xad: {  	[sflag:s9] =	ssyncset.done $0x0  }
0xae: {  	[sflag:s9] =	ssyncadd.s32 $0xFFFFC000  }
0xaf: {  	_ =	swait.ge [sflag:s9], $0x4000  }
0xb0: {  	s3 =	sadd.s32 $0x1, s3;
	[sflag:s9] =	ssyncset.done $0x0  }
0xb1: {  	p0 =	sne.s32 s3, s6;
	[sflag:s9] =	ssyncadd.s32 $0xFFFFC000  }
.Ltmp4:
0xb2: {  	s31 =	sshrl.u32 s4, $0x3;
	[bflag:$0x0] =	sbarrier.arrive $0xFFFF;
	(pc) =	sbr.rel @p0 .LBB2_1-.Ltmp4, $4  }
0xb3: {  	[hbm:s11], [sflag:s13] =	dma.local [spmem:s31], $0x2800  }
0xb4: {  	_ =	swait.ge [sflag:s8], $0x2800  }
0xb5: {  	[sflag:s8] =	ssyncset.done $0x0  }
0xb6: {  	[sflag:s8] =	ssyncadd.s32 $0xFFFFD800  }
0xb7: {  	_ =	sfence.sel $0x180000  }
0xb8: {  	[bflag:$0x0] =	sbarrier.arrive $0xFFFF  }
0xb9: {  	p0 =	sne.s32 s0, $0x0;
	_ =	strace $0x90000047  }
0xba: {  	s0 =	sadd.s32 @!p0 $0x100000, s1;
	[bflag:$0x2] =	sbarrier.arrive $0xFFFF  }
0xbb: {  	[sflag:s0] =	ssyncadd.tile.s32 @!p0 $0x1;
	_ =	shalt  }
.Lfunc_end2:
_tile_overlayer_lowered:
.L_overlay_start_2:
0xbc: {  	(tag) =	ssettag $0x2  }
0xbd: {  	s0 =	rddreg [dreg:$0x0];
	s2 =	stileid.u32  }
0xbe: {  	s1 =	rddreg [dreg:$0x1];
	p0 =	sne.s32 s2, $0x0  }
0xbf: {  	s3 =	rddreg [dreg:$0x2];
	[bflag:$0x3] =	sbarrier.arrive $0xFFFF;
	s2 =	simm.s32 @!p0 $0x1C02  }
0xc0: {  	[timem:s3], [sflag:s2] =	dma.local @!p0 [hbm:s0], s1  }
0xc1: {  	s0 =	simm.s32 @!p0 $0x2  }
0xc2: {  	_ =	swait.ge @!p0 [sflag:s0], s1  }
0xc3: {  	s1 =	ssub.s32 @!p0 $0x0, s1;
	[sflag:s0] =	ssyncset.done @!p0 $0x0  }
0xc4: {  	[sflag:s0] =	ssyncadd.s32 @!p0 s1  }
0xc5: {  	[bflag:$0x3] =	sbarrier.arrive $0xFFFF  }
0xc6: {  	_ =	shalt  }

</sc_bundles>
